<compile_context>
chip_gen: v7x
topology: tpu7x:2x2x1
jax: 0.10.2.dev20260603
libtpu: 0.0.44.dev20260713+nightly
codegen_flags: <defaults>
</compile_context>

<pallas_src>
import jax
import jax.numpy as jnp
from jax import lax
from jax.experimental import pallas as pl
from jax.experimental.pallas import tpu as pltpu, tpu_sc as plsc

BATCH = 16384
DIM = 2048
LANES = 16
NUM_WORKERS = 32
ROWS_PER_WORKER = BATCH // NUM_WORKERS
BLOCK_ROWS = 4
NBUF = 4
NUM_BLOCKS = ROWS_PER_WORKER // BLOCK_ROWS
NUM_CHUNKS = DIM // LANES


def _permute_block(perm_v, in_v, out_v):
    @plsc.parallel_loop(0, NUM_CHUNKS, unroll=8)
    def chunk_step(c):
        col = c * LANES
        idx = perm_v[pl.ds(col, LANES)]
        for r in range(BLOCK_ROWS):
            row_idx = jnp.full((LANES,), r, jnp.int32)
            vals = plsc.load_gather(in_v, [row_idx, idx])
            out_v[r, pl.ds(col, LANES)] = vals


def _body(z_hbm, perm_hbm, out_hbm, perm_v, ins, outs, sis, sos):
    nc = plsc.get_sparse_core_info().num_cores
    wid = lax.axis_index("s") * nc + lax.axis_index("c")
    row0 = wid * ROWS_PER_WORKER

    pltpu.sync_copy(perm_hbm, perm_v)

    def in_slice(blk):
        return z_hbm.at[pl.ds(row0 + blk * BLOCK_ROWS, BLOCK_ROWS)]

    def out_slice(blk):
        return out_hbm.at[pl.ds(row0 + blk * BLOCK_ROWS, BLOCK_ROWS)]

    for b in range(NBUF):
        pltpu.async_copy(in_slice(b), ins[b], sis[b])

    @pl.loop(0, NUM_BLOCKS, step=NBUF)
    def block_step(i0):
        for b in range(NBUF):
            blk = i0 + b
            pltpu.make_async_copy(in_slice(blk), ins[b], sis[b]).wait()

            @pl.when(i0 > 0)
            def _():
                pltpu.make_async_copy(outs[b], out_slice(blk - NBUF), sos[b]).wait()

            _permute_block(perm_v, ins[b], outs[b])
            pltpu.async_copy(outs[b], out_slice(blk), sos[b])

            @pl.when(blk + NBUF < NUM_BLOCKS)
            def _():
                pltpu.async_copy(in_slice(blk + NBUF), ins[b], sis[b])

    for b in range(NBUF):
        pltpu.make_async_copy(outs[b], out_slice(NUM_BLOCKS - NBUF + b), sos[b]).wait()


@jax.jit
def _permute(z, perm32):
    mesh = plsc.VectorSubcoreMesh(core_axis_name="c", subcore_axis_name="s")
    return pl.kernel(
        _body,
        out_type=jax.ShapeDtypeStruct((BATCH, DIM), jnp.float32),
        mesh=mesh,
        compiler_params=pltpu.CompilerParams(needs_layout_passes=False),
        scratch_types=[
            pltpu.VMEM((DIM,), jnp.int32),
            [pltpu.VMEM((BLOCK_ROWS, DIM), jnp.float32)] * NBUF,
            [pltpu.VMEM((BLOCK_ROWS, DIM), jnp.float32)] * NBUF,
            [pltpu.SemaphoreType.DMA] * NBUF,
            [pltpu.SemaphoreType.DMA] * NBUF,
        ],
    )(z, perm32)


def kernel(z, permutation):
    return _permute(z, permutation.astype(jnp.int32))

# --- scband reference (transcript-rebuilt; emitter-appended) ---
"""Pipeline reference for scband-permutation-layer-30906584662268 (READ-ONLY COPY).

The authoritative reference and input builder live on the scoring server;
editing this copy changes nothing except your own understanding.
"""

import jax, jax.numpy as jnp
import numpy as np

INPUT_DIM = 2048
BATCH = 16384

def setup_inputs(seed: int = 0) -> dict:
    key = jax.random.key(seed)
    k_z, k_perm = jax.random.split(key)
    z = jax.random.normal(k_z, (BATCH, INPUT_DIM), dtype=jnp.float32)
    # buffer: fixed random permutation (equivalent of torch.randperm registered buffer)
    permutation = jax.random.permutation(k_perm, INPUT_DIM).astype(jnp.int64)
    return {"z": z, "permutation": permutation}

def reference(z, permutation):
    # PermutationLayer.forward: z[:, permutation] -> column gather
    return jnp.take(z, permutation, axis=1)

if __name__ == "__main__":
    import jax
    _d = setup_inputs()
    print(jax.jit(kernel)(*tuple(_d.values())))

</pallas_src>

<mosaic_0001>
#map = affine_map<(d0, d1) -> (0, 0)>
#map1 = affine_map<(d0, d1) -> (0)>
module attributes {stable_mosaic.version = 14 : i64} {
  func.func @_body(%arg0: i32, %arg1: i32, %arg2: memref<16384x2048xf32, #tpu.memory_space<hbm>>, %arg3: memref<2048xi32, #tpu.memory_space<hbm>>, %arg4: memref<16384x2048xf32, #tpu.memory_space<hbm>>, %arg5: memref<2048xi32, #tpu.memory_space<vmem>>, %arg6: memref<4x2048xf32, #tpu.memory_space<vmem>>, %arg7: memref<4x2048xf32, #tpu.memory_space<vmem>>, %arg8: memref<4x2048xf32, #tpu.memory_space<vmem>>, %arg9: memref<4x2048xf32, #tpu.memory_space<vmem>>, %arg10: memref<4x2048xf32, #tpu.memory_space<vmem>>, %arg11: memref<4x2048xf32, #tpu.memory_space<vmem>>, %arg12: memref<4x2048xf32, #tpu.memory_space<vmem>>, %arg13: memref<4x2048xf32, #tpu.memory_space<vmem>>, %arg14: memref<!tpu.dma_semaphore, #tpu.memory_space<semaphore_mem>>, %arg15: memref<!tpu.dma_semaphore, #tpu.memory_space<semaphore_mem>>, %arg16: memref<!tpu.dma_semaphore, #tpu.memory_space<semaphore_mem>>, %arg17: memref<!tpu.dma_semaphore, #tpu.memory_space<semaphore_mem>>, %arg18: memref<!tpu.dma_semaphore, #tpu.memory_space<semaphore_mem>>, %arg19: memref<!tpu.dma_semaphore, #tpu.memory_space<semaphore_mem>>, %arg20: memref<!tpu.dma_semaphore, #tpu.memory_space<semaphore_mem>>, %arg21: memref<!tpu.dma_semaphore, #tpu.memory_space<semaphore_mem>>) attributes {dimension_semantics = [#tpu.dimension_semantics<core_parallel>, #tpu.dimension_semantics<subcore_parallel>], iteration_bounds = array<i64: 2, 16>, scalar_prefetch = 0 : i64, scratch_operands = 17 : i64, tpu.core_type = #tpu.core_type<sc_vector_subcore>, window_params = [{transform_indices = #map}, {transform_indices = #map1}, {transform_indices = #map}]} {
    %mul3A = arith.constant 2 : i32
    %mul3A_0 = arith.muli %arg1, %mul3A : i32
    %add3A = arith.addi %mul3A_0, %arg0 : i32
    %mul3A_1 = arith.constant 512 : i32
    %mul3A_2 = arith.muli %add3A, %mul3A_1 : i32
    "tpu.region"() ({
      %run_scoped3A = tpu.sem_alloc : memref<!tpu.dma_semaphore, #tpu.memory_space<semaphore_mem>>
      tpu.enqueue_dma source(%arg3 : memref<2048xi32, #tpu.memory_space<hbm>>) target(%arg5 : memref<2048xi32, #tpu.memory_space<vmem>>) target_semaphore(%run_scoped3A : memref<!tpu.dma_semaphore, #tpu.memory_space<semaphore_mem>>)
      tpu.wait_dma2 semaphore(%run_scoped3A : memref<!tpu.dma_semaphore, #tpu.memory_space<semaphore_mem>>) src(%arg3 : memref<2048xi32, #tpu.memory_space<hbm>>) dst(%arg5 : memref<2048xi32, #tpu.memory_space<vmem>>)
      tpu.yield
    }) : () -> ()
    %add3A_3 = arith.constant 0 : i32
    %add3A_4 = arith.addi %mul3A_2, %add3A_3 : i32
    %dma_start3A = arith.constant 0 : i32
    %dma_start3A_5 = tpu.memref_slice %arg2[%add3A_4, %dma_start3A] : memref<16384x2048xf32, #tpu.memory_space<hbm>> -> memref<4x2048xf32, #tpu.memory_space<hbm>>
    %dma_start3A_6 = arith.constant 0 : i32
    %dma_start3A_7 = tpu.memref_slice %arg2[%add3A_4, %dma_start3A_6] : memref<16384x2048xf32, #tpu.memory_space<hbm>> -> memref<4x2048xf32, #tpu.memory_space<hbm>>
    tpu.enqueue_dma source(%dma_start3A_7 : memref<4x2048xf32, #tpu.memory_space<hbm>>) target(%arg6 : memref<4x2048xf32, #tpu.memory_space<vmem>>) target_semaphore(%arg14 : memref<!tpu.dma_semaphore, #tpu.memory_space<semaphore_mem>>)
    %add3A_8 = arith.constant 4 : i32
    %add3A_9 = arith.addi %mul3A_2, %add3A_8 : i32
    %dma_start3A_10 = arith.constant 0 : i32
    %dma_start3A_11 = tpu.memref_slice %arg2[%add3A_9, %dma_start3A_10] : memref<16384x2048xf32, #tpu.memory_space<hbm>> -> memref<4x2048xf32, #tpu.memory_space<hbm>>
    %dma_start3A_12 = arith.constant 0 : i32
    %dma_start3A_13 = tpu.memref_slice %arg2[%add3A_9, %dma_start3A_12] : memref<16384x2048xf32, #tpu.memory_space<hbm>> -> memref<4x2048xf32, #tpu.memory_space<hbm>>
    tpu.enqueue_dma source(%dma_start3A_13 : memref<4x2048xf32, #tpu.memory_space<hbm>>) target(%arg7 : memref<4x2048xf32, #tpu.memory_space<vmem>>) target_semaphore(%arg15 : memref<!tpu.dma_semaphore, #tpu.memory_space<semaphore_mem>>)
    %add3A_14 = arith.constant 8 : i32
    %add3A_15 = arith.addi %mul3A_2, %add3A_14 : i32
    %dma_start3A_16 = arith.constant 0 : i32
    %dma_start3A_17 = tpu.memref_slice %arg2[%add3A_15, %dma_start3A_16] : memref<16384x2048xf32, #tpu.memory_space<hbm>> -> memref<4x2048xf32, #tpu.memory_space<hbm>>
    %dma_start3A_18 = arith.constant 0 : i32
    %dma_start3A_19 = tpu.memref_slice %arg2[%add3A_15, %dma_start3A_18] : memref<16384x2048xf32, #tpu.memory_space<hbm>> -> memref<4x2048xf32, #tpu.memory_space<hbm>>
    tpu.enqueue_dma source(%dma_start3A_19 : memref<4x2048xf32, #tpu.memory_space<hbm>>) target(%arg8 : memref<4x2048xf32, #tpu.memory_space<vmem>>) target_semaphore(%arg16 : memref<!tpu.dma_semaphore, #tpu.memory_space<semaphore_mem>>)
    %add3A_20 = arith.constant 12 : i32
    %add3A_21 = arith.addi %mul3A_2, %add3A_20 : i32
    %dma_start3A_22 = arith.constant 0 : i32
    %dma_start3A_23 = tpu.memref_slice %arg2[%add3A_21, %dma_start3A_22] : memref<16384x2048xf32, #tpu.memory_space<hbm>> -> memref<4x2048xf32, #tpu.memory_space<hbm>>
    %dma_start3A_24 = arith.constant 0 : i32
    %dma_start3A_25 = tpu.memref_slice %arg2[%add3A_21, %dma_start3A_24] : memref<16384x2048xf32, #tpu.memory_space<hbm>> -> memref<4x2048xf32, #tpu.memory_space<hbm>>
    tpu.enqueue_dma source(%dma_start3A_25 : memref<4x2048xf32, #tpu.memory_space<hbm>>) target(%arg9 : memref<4x2048xf32, #tpu.memory_space<vmem>>) target_semaphore(%arg17 : memref<!tpu.dma_semaphore, #tpu.memory_space<semaphore_mem>>)
    %scan3A = arith.constant 0 : i32
    %scan3A_26 = arith.constant 32 : i32
    %scan3A_27 = arith.addi %scan3A, %scan3A_26 : i32
    %scan3A_28 = arith.constant 1 : i32
    scf.for %scan3A_53 = %scan3A to %scan3A_27 step %scan3A_28  : i32 {
      %mul3A_54 = arith.constant 4 : i32
      %mul3A_55 = arith.muli %scan3A_53, %mul3A_54 : i32
      %add3A_56 = arith.constant 0 : i32
      %add3A_57 = arith.addi %add3A_56, %mul3A_55 : i32
      %add3A_58 = arith.constant 0 : i32
      %add3A_59 = arith.addi %add3A_57, %add3A_58 : i32
      %mul3A_60 = arith.constant 4 : i32
      %mul3A_61 = arith.muli %add3A_59, %mul3A_60 : i32
      %add3A_62 = arith.addi %mul3A_2, %mul3A_61 : i32
      %dma_wait3A_63 = arith.constant 0 : i32
      %dma_wait3A_64 = tpu.memref_slice %arg2[%add3A_62, %dma_wait3A_63] : memref<16384x2048xf32, #tpu.memory_space<hbm>> -> memref<4x2048xf32, #tpu.memory_space<hbm>>
      %dma_wait3A_65 = arith.constant 0 : i32
      %dma_wait3A_66 = tpu.memref_slice %arg2[%add3A_62, %dma_wait3A_65] : memref<16384x2048xf32, #tpu.memory_space<hbm>> -> memref<4x2048xf32, #tpu.memory_space<hbm>>
      tpu.wait_dma2 semaphore(%arg14 : memref<!tpu.dma_semaphore, #tpu.memory_space<semaphore_mem>>) src(%dma_wait3A_66 : memref<4x2048xf32, #tpu.memory_space<hbm>>) dst(%arg6 : memref<4x2048xf32, #tpu.memory_space<vmem>>)
      %gt3A = arith.constant 0 : i32
      %gt3A_67 = arith.cmpi sgt, %add3A_57, %gt3A : i32
      %convert_element_type3A = arith.extui %gt3A_67 : i1 to i32
      %cond3A = arith.constant 0 : i32
      %cond3A_68 = arith.cmpi ne, %convert_element_type3A, %cond3A : i32
      scf.if %cond3A_68 {
        %sub3A = arith.constant 4 : i32
        %sub3A_177 = arith.subi %add3A_59, %sub3A : i32
        %mul3A_178 = arith.constant 4 : i32
        %mul3A_179 = arith.muli %sub3A_177, %mul3A_178 : i32
        %add3A_180 = arith.addi %mul3A_2, %mul3A_179 : i32
        %dma_wait3A_181 = arith.constant 0 : i32
        %dma_wait3A_182 = tpu.memref_slice %arg4[%add3A_180, %dma_wait3A_181] : memref<16384x2048xf32, #tpu.memory_space<hbm>> -> memref<4x2048xf32, #tpu.memory_space<hbm>>
        %dma_wait3A_183 = arith.constant 0 : i32
        %dma_wait3A_184 = tpu.memref_slice %arg4[%add3A_180, %dma_wait3A_183] : memref<16384x2048xf32, #tpu.memory_space<hbm>> -> memref<4x2048xf32, #tpu.memory_space<hbm>>
        tpu.wait_dma2 semaphore(%arg18 : memref<!tpu.dma_semaphore, #tpu.memory_space<semaphore_mem>>) src(%arg10 : memref<4x2048xf32, #tpu.memory_space<vmem>>) dst(%dma_wait3A_184 : memref<4x2048xf32, #tpu.memory_space<hbm>>)
      } else {
      }
      %parallel_loop3A = arith.constant 0 : i32
      %parallel_loop3A_69 = arith.constant 128 : i32
      %parallel_loop3A_70 = arith.constant 1 : i32
      scf.for %parallel_loop3A_177 = %parallel_loop3A to %parallel_loop3A_69 step %parallel_loop3A_70  : i32 {
        %parallel_loop3A_178 = arith.constant 16 : i32
        %parallel_loop3A_179 = arith.muli %parallel_loop3A_177, %parallel_loop3A_178 : i32
        %parallel_loop3A_180 = arith.index_cast %parallel_loop3A_179 : i32 to index
        %parallel_loop3A_181 = tpu.vector_load %arg5[%parallel_loop3A_180] {strides = array<i32>} : memref<2048xi32, #tpu.memory_space<vmem>>, vector<16xi32>,
        %parallel_loop3A_182 = arith.constant 0 : i32
        %parallel_loop3A_183 = vector.broadcast %parallel_loop3A_182 : i32 to vector<16xi32>
        %parallel_loop3A_184 = tpu.vector_load_idx %arg6[%parallel_loop3A_183, %parallel_loop3A_181] : memref<4x2048xf32, #tpu.memory_space<vmem>>[vector<16xi32>, vector<16xi32>], vector<16xf32>,
        %parallel_loop3A_185 = arith.constant 0 : i32
        %parallel_loop3A_186 = arith.index_cast %parallel_loop3A_185 : i32 to index
        %parallel_loop3A_187 = arith.index_cast %parallel_loop3A_179 : i32 to index
        %parallel_loop3A_188 = tpu.vector_load %arg10[%parallel_loop3A_186, %parallel_loop3A_187] {strides = array<i32>} : memref<4x2048xf32, #tpu.memory_space<vmem>>, vector<16xf32>,
        tpu.vector_store %arg10[%parallel_loop3A_186, %parallel_loop3A_187], %parallel_loop3A_184 {strides = array<i32>} : memref<4x2048xf32, #tpu.memory_space<vmem>>, vector<16xf32>,
        %parallel_loop3A_189 = arith.constant 1 : i32
        %parallel_loop3A_190 = vector.broadcast %parallel_loop3A_189 : i32 to vector<16xi32>
        %parallel_loop3A_191 = tpu.vector_load_idx %arg6[%parallel_loop3A_190, %parallel_loop3A_181] : memref<4x2048xf32, #tpu.memory_space<vmem>>[vector<16xi32>, vector<16xi32>], vector<16xf32>,
        %parallel_loop3A_192 = arith.constant 1 : i32
        %parallel_loop3A_193 = arith.index_cast %parallel_loop3A_192 : i32 to index
        %parallel_loop3A_194 = arith.index_cast %parallel_loop3A_179 : i32 to index
        %parallel_loop3A_195 = tpu.vector_load %arg10[%parallel_loop3A_193, %parallel_loop3A_194] {strides = array<i32>} : memref<4x2048xf32, #tpu.memory_space<vmem>>, vector<16xf32>,
        tpu.vector_store %arg10[%parallel_loop3A_193, %parallel_loop3A_194], %parallel_loop3A_191 {strides = array<i32>} : memref<4x2048xf32, #tpu.memory_space<vmem>>, vector<16xf32>,
        %parallel_loop3A_196 = arith.constant 2 : i32
        %parallel_loop3A_197 = vector.broadcast %parallel_loop3A_196 : i32 to vector<16xi32>
        %parallel_loop3A_198 = tpu.vector_load_idx %arg6[%parallel_loop3A_197, %parallel_loop3A_181] : memref<4x2048xf32, #tpu.memory_space<vmem>>[vector<16xi32>, vector<16xi32>], vector<16xf32>,
        %parallel_loop3A_199 = arith.constant 2 : i32
        %parallel_loop3A_200 = arith.index_cast %parallel_loop3A_199 : i32 to index
        %parallel_loop3A_201 = arith.index_cast %parallel_loop3A_179 : i32 to index
        %parallel_loop3A_202 = tpu.vector_load %arg10[%parallel_loop3A_200, %parallel_loop3A_201] {strides = array<i32>} : memref<4x2048xf32, #tpu.memory_space<vmem>>, vector<16xf32>,
        tpu.vector_store %arg10[%parallel_loop3A_200, %parallel_loop3A_201], %parallel_loop3A_198 {strides = array<i32>} : memref<4x2048xf32, #tpu.memory_space<vmem>>, vector<16xf32>,
        %parallel_loop3A_203 = arith.constant 3 : i32
        %parallel_loop3A_204 = vector.broadcast %parallel_loop3A_203 : i32 to vector<16xi32>
        %parallel_loop3A_205 = tpu.vector_load_idx %arg6[%parallel_loop3A_204, %parallel_loop3A_181] : memref<4x2048xf32, #tpu.memory_space<vmem>>[vector<16xi32>, vector<16xi32>], vector<16xf32>,
        %parallel_loop3A_206 = arith.constant 3 : i32
        %parallel_loop3A_207 = arith.index_cast %parallel_loop3A_206 : i32 to index
        %parallel_loop3A_208 = arith.index_cast %parallel_loop3A_179 : i32 to index
        %parallel_loop3A_209 = tpu.vector_load %arg10[%parallel_loop3A_207, %parallel_loop3A_208] {strides = array<i32>} : memref<4x2048xf32, #tpu.memory_space<vmem>>, vector<16xf32>,
        tpu.vector_store %arg10[%parallel_loop3A_207, %parallel_loop3A_208], %parallel_loop3A_205 {strides = array<i32>} : memref<4x2048xf32, #tpu.memory_space<vmem>>, vector<16xf32>,
      } {sc.loop_unroll_factor = 8 : i64, sc.parallel_access}
      %mul3A_71 = arith.constant 4 : i32
      %mul3A_72 = arith.muli %add3A_59, %mul3A_71 : i32
      %add3A_73 = arith.addi %mul3A_2, %mul3A_72 : i32
      %dma_start3A_74 = arith.constant 0 : i32
      %dma_start3A_75 = tpu.memref_slice %arg4[%add3A_73, %dma_start3A_74] : memref<16384x2048xf32, #tpu.memory_space<hbm>> -> memref<4x2048xf32, #tpu.memory_space<hbm>>
      %dma_start3A_76 = arith.constant 0 : i32
      %dma_start3A_77 = tpu.memref_slice %arg4[%add3A_73, %dma_start3A_76] : memref<16384x2048xf32, #tpu.memory_space<hbm>> -> memref<4x2048xf32, #tpu.memory_space<hbm>>
      tpu.enqueue_dma source(%arg10 : memref<4x2048xf32, #tpu.memory_space<vmem>>) target(%dma_start3A_77 : memref<4x2048xf32, #tpu.memory_space<hbm>>) target_semaphore(%arg18 : memref<!tpu.dma_semaphore, #tpu.memory_space<semaphore_mem>>)
      %add3A_78 = arith.constant 4 : i32
      %add3A_79 = arith.addi %add3A_59, %add3A_78 : i32
      %lt3A = arith.constant 128 : i32
      %lt3A_80 = arith.cmpi slt, %add3A_79, %lt3A : i32
      %convert_element_type3A_81 = arith.extui %lt3A_80 : i1 to i32
      %cond3A_82 = arith.constant 0 : i32
      %cond3A_83 = arith.cmpi ne, %convert_element_type3A_81, %cond3A_82 : i32
      scf.if %cond3A_83 {
        %add3A_177 = arith.constant 4 : i32
        %add3A_178 = arith.addi %add3A_59, %add3A_177 : i32
        %mul3A_179 = arith.constant 4 : i32
        %mul3A_180 = arith.muli %add3A_178, %mul3A_179 : i32
        %add3A_181 = arith.addi %mul3A_2, %mul3A_180 : i32
        %dma_start3A_182 = arith.constant 0 : i32
        %dma_start3A_183 = tpu.memref_slice %arg2[%add3A_181, %dma_start3A_182] : memref<16384x2048xf32, #tpu.memory_space<hbm>> -> memref<4x2048xf32, #tpu.memory_space<hbm>>
        %dma_start3A_184 = arith.constant 0 : i32
        %dma_start3A_185 = tpu.memref_slice %arg2[%add3A_181, %dma_start3A_184] : memref<16384x2048xf32, #tpu.memory_space<hbm>> -> memref<4x2048xf32, #tpu.memory_space<hbm>>
        tpu.enqueue_dma source(%dma_start3A_185 : memref<4x2048xf32, #tpu.memory_space<hbm>>) target(%arg6 : memref<4x2048xf32, #tpu.memory_space<vmem>>) target_semaphore(%arg14 : memref<!tpu.dma_semaphore, #tpu.memory_space<semaphore_mem>>)
      } else {
      }
      %add3A_84 = arith.constant 1 : i32
      %add3A_85 = arith.addi %add3A_57, %add3A_84 : i32
      %mul3A_86 = arith.constant 4 : i32
      %mul3A_87 = arith.muli %add3A_85, %mul3A_86 : i32
      %add3A_88 = arith.addi %mul3A_2, %mul3A_87 : i32
      %dma_wait3A_89 = arith.constant 0 : i32
      %dma_wait3A_90 = tpu.memref_slice %arg2[%add3A_88, %dma_wait3A_89] : memref<16384x2048xf32, #tpu.memory_space<hbm>> -> memref<4x2048xf32, #tpu.memory_space<hbm>>
      %dma_wait3A_91 = arith.constant 0 : i32
      %dma_wait3A_92 = tpu.memref_slice %arg2[%add3A_88, %dma_wait3A_91] : memref<16384x2048xf32, #tpu.memory_space<hbm>> -> memref<4x2048xf32, #tpu.memory_space<hbm>>
      tpu.wait_dma2 semaphore(%arg15 : memref<!tpu.dma_semaphore, #tpu.memory_space<semaphore_mem>>) src(%dma_wait3A_92 : memref<4x2048xf32, #tpu.memory_space<hbm>>) dst(%arg7 : memref<4x2048xf32, #tpu.memory_space<vmem>>)
      %gt3A_93 = arith.constant 0 : i32
      %gt3A_94 = arith.cmpi sgt, %add3A_57, %gt3A_93 : i32
      %convert_element_type3A_95 = arith.extui %gt3A_94 : i1 to i32
      %cond3A_96 = arith.constant 0 : i32
      %cond3A_97 = arith.cmpi ne, %convert_element_type3A_95, %cond3A_96 : i32
      scf.if %cond3A_97 {
        %sub3A = arith.constant 4 : i32
        %sub3A_177 = arith.subi %add3A_85, %sub3A : i32
        %mul3A_178 = arith.constant 4 : i32
        %mul3A_179 = arith.muli %sub3A_177, %mul3A_178 : i32
        %add3A_180 = arith.addi %mul3A_2, %mul3A_179 : i32
        %dma_wait3A_181 = arith.constant 0 : i32
        %dma_wait3A_182 = tpu.memref_slice %arg4[%add3A_180, %dma_wait3A_181] : memref<16384x2048xf32, #tpu.memory_space<hbm>> -> memref<4x2048xf32, #tpu.memory_space<hbm>>
        %dma_wait3A_183 = arith.constant 0 : i32
        %dma_wait3A_184 = tpu.memref_slice %arg4[%add3A_180, %dma_wait3A_183] : memref<16384x2048xf32, #tpu.memory_space<hbm>> -> memref<4x2048xf32, #tpu.memory_space<hbm>>
        tpu.wait_dma2 semaphore(%arg19 : memref<!tpu.dma_semaphore, #tpu.memory_space<semaphore_mem>>) src(%arg11 : memref<4x2048xf32, #tpu.memory_space<vmem>>) dst(%dma_wait3A_184 : memref<4x2048xf32, #tpu.memory_space<hbm>>)
      } else {
      }
      %parallel_loop3A_98 = arith.constant 0 : i32
      %parallel_loop3A_99 = arith.constant 128 : i32
      %parallel_loop3A_100 = arith.constant 1 : i32
      scf.for %parallel_loop3A_177 = %parallel_loop3A_98 to %parallel_loop3A_99 step %parallel_loop3A_100  : i32 {
        %parallel_loop3A_178 = arith.constant 16 : i32
        %parallel_loop3A_179 = arith.muli %parallel_loop3A_177, %parallel_loop3A_178 : i32
        %parallel_loop3A_180 = arith.index_cast %parallel_loop3A_179 : i32 to index
        %parallel_loop3A_181 = tpu.vector_load %arg5[%parallel_loop3A_180] {strides = array<i32>} : memref<2048xi32, #tpu.memory_space<vmem>>, vector<16xi32>,
        %parallel_loop3A_182 = arith.constant 0 : i32
        %parallel_loop3A_183 = vector.broadcast %parallel_loop3A_182 : i32 to vector<16xi32>
        %parallel_loop3A_184 = tpu.vector_load_idx %arg7[%parallel_loop3A_183, %parallel_loop3A_181] : memref<4x2048xf32, #tpu.memory_space<vmem>>[vector<16xi32>, vector<16xi32>], vector<16xf32>,
        %parallel_loop3A_185 = arith.constant 0 : i32
        %parallel_loop3A_186 = arith.index_cast %parallel_loop3A_185 : i32 to index
        %parallel_loop3A_187 = arith.index_cast %parallel_loop3A_179 : i32 to index
        %parallel_loop3A_188 = tpu.vector_load %arg11[%parallel_loop3A_186, %parallel_loop3A_187] {strides = array<i32>} : memref<4x2048xf32, #tpu.memory_space<vmem>>, vector<16xf32>,
        tpu.vector_store %arg11[%parallel_loop3A_186, %parallel_loop3A_187], %parallel_loop3A_184 {strides = array<i32>} : memref<4x2048xf32, #tpu.memory_space<vmem>>, vector<16xf32>,
        %parallel_loop3A_189 = arith.constant 1 : i32
        %parallel_loop3A_190 = vector.broadcast %parallel_loop3A_189 : i32 to vector<16xi32>
        %parallel_loop3A_191 = tpu.vector_load_idx %arg7[%parallel_loop3A_190, %parallel_loop3A_181] : memref<4x2048xf32, #tpu.memory_space<vmem>>[vector<16xi32>, vector<16xi32>], vector<16xf32>,
        %parallel_loop3A_192 = arith.constant 1 : i32
        %parallel_loop3A_193 = arith.index_cast %parallel_loop3A_192 : i32 to index
        %parallel_loop3A_194 = arith.index_cast %parallel_loop3A_179 : i32 to index
        %parallel_loop3A_195 = tpu.vector_load %arg11[%parallel_loop3A_193, %parallel_loop3A_194] {strides = array<i32>} : memref<4x2048xf32, #tpu.memory_space<vmem>>, vector<16xf32>,
        tpu.vector_store %arg11[%parallel_loop3A_193, %parallel_loop3A_194], %parallel_loop3A_191 {strides = array<i32>} : memref<4x2048xf32, #tpu.memory_space<vmem>>, vector<16xf32>,
        %parallel_loop3A_196 = arith.constant 2 : i32
        %parallel_loop3A_197 = vector.broadcast %parallel_loop3A_196 : i32 to vector<16xi32>
        %parallel_loop3A_198 = tpu.vector_load_idx %arg7[%parallel_loop3A_197, %parallel_loop3A_181] : memref<4x2048xf32, #tpu.memory_space<vmem>>[vector<16xi32>, vector<16xi32>], vector<16xf32>,
        %parallel_loop3A_199 = arith.constant 2 : i32
        %parallel_loop3A_200 = arith.index_cast %parallel_loop3A_199 : i32 to index
        %parallel_loop3A_201 = arith.index_cast %parallel_loop3A_179 : i32 to index
        %parallel_loop3A_202 = tpu.vector_load %arg11[%parallel_loop3A_200, %parallel_loop3A_201] {strides = array<i32>} : memref<4x2048xf32, #tpu.memory_space<vmem>>, vector<16xf32>,
        tpu.vector_store %arg11[%parallel_loop3A_200, %parallel_loop3A_201], %parallel_loop3A_198 {strides = array<i32>} : memref<4x2048xf32, #tpu.memory_space<vmem>>, vector<16xf32>,
        %parallel_loop3A_203 = arith.constant 3 : i32
        %parallel_loop3A_204 = vector.broadcast %parallel_loop3A_203 : i32 to vector<16xi32>
        %parallel_loop3A_205 = tpu.vector_load_idx %arg7[%parallel_loop3A_204, %parallel_loop3A_181] : memref<4x2048xf32, #tpu.memory_space<vmem>>[vector<16xi32>, vector<16xi32>], vector<16xf32>,
        %parallel_loop3A_206 = arith.constant 3 : i32
        %parallel_loop3A_207 = arith.index_cast %parallel_loop3A_206 : i32 to index
        %parallel_loop3A_208 = arith.index_cast %parallel_loop3A_179 : i32 to index
        %parallel_loop3A_209 = tpu.vector_load %arg11[%parallel_loop3A_207, %parallel_loop3A_208] {strides = array<i32>} : memref<4x2048xf32, #tpu.memory_space<vmem>>, vector<16xf32>,
        tpu.vector_store %arg11[%parallel_loop3A_207, %parallel_loop3A_208], %parallel_loop3A_205 {strides = array<i32>} : memref<4x2048xf32, #tpu.memory_space<vmem>>, vector<16xf32>,
      } {sc.loop_unroll_factor = 8 : i64, sc.parallel_access}
      %mul3A_101 = arith.constant 4 : i32
      %mul3A_102 = arith.muli %add3A_85, %mul3A_101 : i32
      %add3A_103 = arith.addi %mul3A_2, %mul3A_102 : i32
      %dma_start3A_104 = arith.constant 0 : i32
      %dma_start3A_105 = tpu.memref_slice %arg4[%add3A_103, %dma_start3A_104] : memref<16384x2048xf32, #tpu.memory_space<hbm>> -> memref<4x2048xf32, #tpu.memory_space<hbm>>
      %dma_start3A_106 = arith.constant 0 : i32
      %dma_start3A_107 = tpu.memref_slice %arg4[%add3A_103, %dma_start3A_106] : memref<16384x2048xf32, #tpu.memory_space<hbm>> -> memref<4x2048xf32, #tpu.memory_space<hbm>>
      tpu.enqueue_dma source(%arg11 : memref<4x2048xf32, #tpu.memory_space<vmem>>) target(%dma_start3A_107 : memref<4x2048xf32, #tpu.memory_space<hbm>>) target_semaphore(%arg19 : memref<!tpu.dma_semaphore, #tpu.memory_space<semaphore_mem>>)
      %add3A_108 = arith.constant 4 : i32
      %add3A_109 = arith.addi %add3A_85, %add3A_108 : i32
      %lt3A_110 = arith.constant 128 : i32
      %lt3A_111 = arith.cmpi slt, %add3A_109, %lt3A_110 : i32
      %convert_element_type3A_112 = arith.extui %lt3A_111 : i1 to i32
      %cond3A_113 = arith.constant 0 : i32
      %cond3A_114 = arith.cmpi ne, %convert_element_type3A_112, %cond3A_113 : i32
      scf.if %cond3A_114 {
        %add3A_177 = arith.constant 4 : i32
        %add3A_178 = arith.addi %add3A_85, %add3A_177 : i32
        %mul3A_179 = arith.constant 4 : i32
        %mul3A_180 = arith.muli %add3A_178, %mul3A_179 : i32
        %add3A_181 = arith.addi %mul3A_2, %mul3A_180 : i32
        %dma_start3A_182 = arith.constant 0 : i32
        %dma_start3A_183 = tpu.memref_slice %arg2[%add3A_181, %dma_start3A_182] : memref<16384x2048xf32, #tpu.memory_space<hbm>> -> memref<4x2048xf32, #tpu.memory_space<hbm>>
        %dma_start3A_184 = arith.constant 0 : i32
        %dma_start3A_185 = tpu.memref_slice %arg2[%add3A_181, %dma_start3A_184] : memref<16384x2048xf32, #tpu.memory_space<hbm>> -> memref<4x2048xf32, #tpu.memory_space<hbm>>
        tpu.enqueue_dma source(%dma_start3A_185 : memref<4x2048xf32, #tpu.memory_space<hbm>>) target(%arg7 : memref<4x2048xf32, #tpu.memory_space<vmem>>) target_semaphore(%arg15 : memref<!tpu.dma_semaphore, #tpu.memory_space<semaphore_mem>>)
      } else {
      }
      %add3A_115 = arith.constant 2 : i32
      %add3A_116 = arith.addi %add3A_57, %add3A_115 : i32
      %mul3A_117 = arith.constant 4 : i32
      %mul3A_118 = arith.muli %add3A_116, %mul3A_117 : i32
      %add3A_119 = arith.addi %mul3A_2, %mul3A_118 : i32
      %dma_wait3A_120 = arith.constant 0 : i32
      %dma_wait3A_121 = tpu.memref_slice %arg2[%add3A_119, %dma_wait3A_120] : memref<16384x2048xf32, #tpu.memory_space<hbm>> -> memref<4x2048xf32, #tpu.memory_space<hbm>>
      %dma_wait3A_122 = arith.constant 0 : i32
      %dma_wait3A_123 = tpu.memref_slice %arg2[%add3A_119, %dma_wait3A_122] : memref<16384x2048xf32, #tpu.memory_space<hbm>> -> memref<4x2048xf32, #tpu.memory_space<hbm>>
      tpu.wait_dma2 semaphore(%arg16 : memref<!tpu.dma_semaphore, #tpu.memory_space<semaphore_mem>>) src(%dma_wait3A_123 : memref<4x2048xf32, #tpu.memory_space<hbm>>) dst(%arg8 : memref<4x2048xf32, #tpu.memory_space<vmem>>)
      %gt3A_124 = arith.constant 0 : i32
      %gt3A_125 = arith.cmpi sgt, %add3A_57, %gt3A_124 : i32
      %convert_element_type3A_126 = arith.extui %gt3A_125 : i1 to i32
      %cond3A_127 = arith.constant 0 : i32
      %cond3A_128 = arith.cmpi ne, %convert_element_type3A_126, %cond3A_127 : i32
      scf.if %cond3A_128 {
        %sub3A = arith.constant 4 : i32
        %sub3A_177 = arith.subi %add3A_116, %sub3A : i32
        %mul3A_178 = arith.constant 4 : i32
        %mul3A_179 = arith.muli %sub3A_177, %mul3A_178 : i32
        %add3A_180 = arith.addi %mul3A_2, %mul3A_179 : i32
        %dma_wait3A_181 = arith.constant 0 : i32
        %dma_wait3A_182 = tpu.memref_slice %arg4[%add3A_180, %dma_wait3A_181] : memref<16384x2048xf32, #tpu.memory_space<hbm>> -> memref<4x2048xf32, #tpu.memory_space<hbm>>
        %dma_wait3A_183 = arith.constant 0 : i32
        %dma_wait3A_184 = tpu.memref_slice %arg4[%add3A_180, %dma_wait3A_183] : memref<16384x2048xf32, #tpu.memory_space<hbm>> -> memref<4x2048xf32, #tpu.memory_space<hbm>>
        tpu.wait_dma2 semaphore(%arg20 : memref<!tpu.dma_semaphore, #tpu.memory_space<semaphore_mem>>) src(%arg12 : memref<4x2048xf32, #tpu.memory_space<vmem>>) dst(%dma_wait3A_184 : memref<4x2048xf32, #tpu.memory_space<hbm>>)
      } else {
      }
      %parallel_loop3A_129 = arith.constant 0 : i32
      %parallel_loop3A_130 = arith.constant 128 : i32
      %parallel_loop3A_131 = arith.constant 1 : i32
      scf.for %parallel_loop3A_177 = %parallel_loop3A_129 to %parallel_loop3A_130 step %parallel_loop3A_131  : i32 {
        %parallel_loop3A_178 = arith.constant 16 : i32
        %parallel_loop3A_179 = arith.muli %parallel_loop3A_177, %parallel_loop3A_178 : i32
        %parallel_loop3A_180 = arith.index_cast %parallel_loop3A_179 : i32 to index
        %parallel_loop3A_181 = tpu.vector_load %arg5[%parallel_loop3A_180] {strides = array<i32>} : memref<2048xi32, #tpu.memory_space<vmem>>, vector<16xi32>,
        %parallel_loop3A_182 = arith.constant 0 : i32
        %parallel_loop3A_183 = vector.broadcast %parallel_loop3A_182 : i32 to vector<16xi32>
        %parallel_loop3A_184 = tpu.vector_load_idx %arg8[%parallel_loop3A_183, %parallel_loop3A_181] : memref<4x2048xf32, #tpu.memory_space<vmem>>[vector<16xi32>, vector<16xi32>], vector<16xf32>,
        %parallel_loop3A_185 = arith.constant 0 : i32
        %parallel_loop3A_186 = arith.index_cast %parallel_loop3A_185 : i32 to index
        %parallel_loop3A_187 = arith.index_cast %parallel_loop3A_179 : i32 to index
        %parallel_loop3A_188 = tpu.vector_load %arg12[%parallel_loop3A_186, %parallel_loop3A_187] {strides = array<i32>} : memref<4x2048xf32, #tpu.memory_space<vmem>>, vector<16xf32>,
        tpu.vector_store %arg12[%parallel_loop3A_186, %parallel_loop3A_187], %parallel_loop3A_184 {strides = array<i32>} : memref<4x2048xf32, #tpu.memory_space<vmem>>, vector<16xf32>,
        %parallel_loop3A_189 = arith.constant 1 : i32
        %parallel_loop3A_190 = vector.broadcast %parallel_loop3A_189 : i32 to vector<16xi32>
        %parallel_loop3A_191 = tpu.vector_load_idx %arg8[%parallel_loop3A_190, %parallel_loop3A_181] : memref<4x2048xf32, #tpu.memory_space<vmem>>[vector<16xi32>, vector<16xi32>], vector<16xf32>,
        %parallel_loop3A_192 = arith.constant 1 : i32
        %parallel_loop3A_193 = arith.index_cast %parallel_loop3A_192 : i32 to index
        %parallel_loop3A_194 = arith.index_cast %parallel_loop3A_179 : i32 to index
        %parallel_loop3A_195 = tpu.vector_load %arg12[%parallel_loop3A_193, %parallel_loop3A_194] {strides = array<i32>} : memref<4x2048xf32, #tpu.memory_space<vmem>>, vector<16xf32>,
        tpu.vector_store %arg12[%parallel_loop3A_193, %parallel_loop3A_194], %parallel_loop3A_191 {strides = array<i32>} : memref<4x2048xf32, #tpu.memory_space<vmem>>, vector<16xf32>,
        %parallel_loop3A_196 = arith.constant 2 : i32
        %parallel_loop3A_197 = vector.broadcast %parallel_loop3A_196 : i32 to vector<16xi32>
        %parallel_loop3A_198 = tpu.vector_load_idx %arg8[%parallel_loop3A_197, %parallel_loop3A_181] : memref<4x2048xf32, #tpu.memory_space<vmem>>[vector<16xi32>, vector<16xi32>], vector<16xf32>,
        %parallel_loop3A_199 = arith.constant 2 : i32
        %parallel_loop3A_200 = arith.index_cast %parallel_loop3A_199 : i32 to index
        %parallel_loop3A_201 = arith.index_cast %parallel_loop3A_179 : i32 to index
        %parallel_loop3A_202 = tpu.vector_load %arg12[%parallel_loop3A_200, %parallel_loop3A_201] {strides = array<i32>} : memref<4x2048xf32, #tpu.memory_space<vmem>>, vector<16xf32>,
        tpu.vector_store %arg12[%parallel_loop3A_200, %parallel_loop3A_201], %parallel_loop3A_198 {strides = array<i32>} : memref<4x2048xf32, #tpu.memory_space<vmem>>, vector<16xf32>,
        %parallel_loop3A_203 = arith.constant 3 : i32
        %parallel_loop3A_204 = vector.broadcast %parallel_loop3A_203 : i32 to vector<16xi32>
        %parallel_loop3A_205 = tpu.vector_load_idx %arg8[%parallel_loop3A_204, %parallel_loop3A_181] : memref<4x2048xf32, #tpu.memory_space<vmem>>[vector<16xi32>, vector<16xi32>], vector<16xf32>,
        %parallel_loop3A_206 = arith.constant 3 : i32
        %parallel_loop3A_207 = arith.index_cast %parallel_loop3A_206 : i32 to index
        %parallel_loop3A_208 = arith.index_cast %parallel_loop3A_179 : i32 to index
        %parallel_loop3A_209 = tpu.vector_load %arg12[%parallel_loop3A_207, %parallel_loop3A_208] {strides = array<i32>} : memref<4x2048xf32, #tpu.memory_space<vmem>>, vector<16xf32>,
        tpu.vector_store %arg12[%parallel_loop3A_207, %parallel_loop3A_208], %parallel_loop3A_205 {strides = array<i32>} : memref<4x2048xf32, #tpu.memory_space<vmem>>, vector<16xf32>,
      } {sc.loop_unroll_factor = 8 : i64, sc.parallel_access}
      %mul3A_132 = arith.constant 4 : i32
      %mul3A_133 = arith.muli %add3A_116, %mul3A_132 : i32
      %add3A_134 = arith.addi %mul3A_2, %mul3A_133 : i32
      %dma_start3A_135 = arith.constant 0 : i32
      %dma_start3A_136 = tpu.memref_slice %arg4[%add3A_134, %dma_start3A_135] : memref<16384x2048xf32, #tpu.memory_space<hbm>> -> memref<4x2048xf32, #tpu.memory_space<hbm>>
      %dma_start3A_137 = arith.constant 0 : i32
      %dma_start3A_138 = tpu.memref_slice %arg4[%add3A_134, %dma_start3A_137] : memref<16384x2048xf32, #tpu.memory_space<hbm>> -> memref<4x2048xf32, #tpu.memory_space<hbm>>
      tpu.enqueue_dma source(%arg12 : memref<4x2048xf32, #tpu.memory_space<vmem>>) target(%dma_start3A_138 : memref<4x2048xf32, #tpu.memory_space<hbm>>) target_semaphore(%arg20 : memref<!tpu.dma_semaphore, #tpu.memory_space<semaphore_mem>>)
      %add3A_139 = arith.constant 4 : i32
      %add3A_140 = arith.addi %add3A_116, %add3A_139 : i32
      %lt3A_141 = arith.constant 128 : i32
      %lt3A_142 = arith.cmpi slt, %add3A_140, %lt3A_141 : i32
      %convert_element_type3A_143 = arith.extui %lt3A_142 : i1 to i32
      %cond3A_144 = arith.constant 0 : i32
      %cond3A_145 = arith.cmpi ne, %convert_element_type3A_143, %cond3A_144 : i32
      scf.if %cond3A_145 {
        %add3A_177 = arith.constant 4 : i32
        %add3A_178 = arith.addi %add3A_116, %add3A_177 : i32
        %mul3A_179 = arith.constant 4 : i32
        %mul3A_180 = arith.muli %add3A_178, %mul3A_179 : i32
        %add3A_181 = arith.addi %mul3A_2, %mul3A_180 : i32
        %dma_start3A_182 = arith.constant 0 : i32
        %dma_start3A_183 = tpu.memref_slice %arg2[%add3A_181, %dma_start3A_182] : memref<16384x2048xf32, #tpu.memory_space<hbm>> -> memref<4x2048xf32, #tpu.memory_space<hbm>>
        %dma_start3A_184 = arith.constant 0 : i32
        %dma_start3A_185 = tpu.memref_slice %arg2[%add3A_181, %dma_start3A_184] : memref<16384x2048xf32, #tpu.memory_space<hbm>> -> memref<4x2048xf32, #tpu.memory_space<hbm>>
        tpu.enqueue_dma source(%dma_start3A_185 : memref<4x2048xf32, #tpu.memory_space<hbm>>) target(%arg8 : memref<4x2048xf32, #tpu.memory_space<vmem>>) target_semaphore(%arg16 : memref<!tpu.dma_semaphore, #tpu.memory_space<semaphore_mem>>)
      } else {
      }
      %add3A_146 = arith.constant 3 : i32
      %add3A_147 = arith.addi %add3A_57, %add3A_146 : i32
      %mul3A_148 = arith.constant 4 : i32
      %mul3A_149 = arith.muli %add3A_147, %mul3A_148 : i32
      %add3A_150 = arith.addi %mul3A_2, %mul3A_149 : i32
      %dma_wait3A_151 = arith.constant 0 : i32
      %dma_wait3A_152 = tpu.memref_slice %arg2[%add3A_150, %dma_wait3A_151] : memref<16384x2048xf32, #tpu.memory_space<hbm>> -> memref<4x2048xf32, #tpu.memory_space<hbm>>
      %dma_wait3A_153 = arith.constant 0 : i32
      %dma_wait3A_154 = tpu.memref_slice %arg2[%add3A_150, %dma_wait3A_153] : memref<16384x2048xf32, #tpu.memory_space<hbm>> -> memref<4x2048xf32, #tpu.memory_space<hbm>>
      tpu.wait_dma2 semaphore(%arg17 : memref<!tpu.dma_semaphore, #tpu.memory_space<semaphore_mem>>) src(%dma_wait3A_154 : memref<4x2048xf32, #tpu.memory_space<hbm>>) dst(%arg9 : memref<4x2048xf32, #tpu.memory_space<vmem>>)
      %gt3A_155 = arith.constant 0 : i32
      %gt3A_156 = arith.cmpi sgt, %add3A_57, %gt3A_155 : i32
      %convert_element_type3A_157 = arith.extui %gt3A_156 : i1 to i32
      %cond3A_158 = arith.constant 0 : i32
      %cond3A_159 = arith.cmpi ne, %convert_element_type3A_157, %cond3A_158 : i32
      scf.if %cond3A_159 {
        %sub3A = arith.constant 4 : i32
        %sub3A_177 = arith.subi %add3A_147, %sub3A : i32
        %mul3A_178 = arith.constant 4 : i32
        %mul3A_179 = arith.muli %sub3A_177, %mul3A_178 : i32
        %add3A_180 = arith.addi %mul3A_2, %mul3A_179 : i32
        %dma_wait3A_181 = arith.constant 0 : i32
        %dma_wait3A_182 = tpu.memref_slice %arg4[%add3A_180, %dma_wait3A_181] : memref<16384x2048xf32, #tpu.memory_space<hbm>> -> memref<4x2048xf32, #tpu.memory_space<hbm>>
        %dma_wait3A_183 = arith.constant 0 : i32
        %dma_wait3A_184 = tpu.memref_slice %arg4[%add3A_180, %dma_wait3A_183] : memref<16384x2048xf32, #tpu.memory_space<hbm>> -> memref<4x2048xf32, #tpu.memory_space<hbm>>
        tpu.wait_dma2 semaphore(%arg21 : memref<!tpu.dma_semaphore, #tpu.memory_space<semaphore_mem>>) src(%arg13 : memref<4x2048xf32, #tpu.memory_space<vmem>>) dst(%dma_wait3A_184 : memref<4x2048xf32, #tpu.memory_space<hbm>>)
      } else {
      }
      %parallel_loop3A_160 = arith.constant 0 : i32
      %parallel_loop3A_161 = arith.constant 128 : i32
      %parallel_loop3A_162 = arith.constant 1 : i32
      scf.for %parallel_loop3A_177 = %parallel_loop3A_160 to %parallel_loop3A_161 step %parallel_loop3A_162  : i32 {
        %parallel_loop3A_178 = arith.constant 16 : i32
        %parallel_loop3A_179 = arith.muli %parallel_loop3A_177, %parallel_loop3A_178 : i32
        %parallel_loop3A_180 = arith.index_cast %parallel_loop3A_179 : i32 to index
        %parallel_loop3A_181 = tpu.vector_load %arg5[%parallel_loop3A_180] {strides = array<i32>} : memref<2048xi32, #tpu.memory_space<vmem>>, vector<16xi32>,
        %parallel_loop3A_182 = arith.constant 0 : i32
        %parallel_loop3A_183 = vector.broadcast %parallel_loop3A_182 : i32 to vector<16xi32>
        %parallel_loop3A_184 = tpu.vector_load_idx %arg9[%parallel_loop3A_183, %parallel_loop3A_181] : memref<4x2048xf32, #tpu.memory_space<vmem>>[vector<16xi32>, vector<16xi32>], vector<16xf32>,
        %parallel_loop3A_185 = arith.constant 0 : i32
        %parallel_loop3A_186 = arith.index_cast %parallel_loop3A_185 : i32 to index
        %parallel_loop3A_187 = arith.index_cast %parallel_loop3A_179 : i32 to index
        %parallel_loop3A_188 = tpu.vector_load %arg13[%parallel_loop3A_186, %parallel_loop3A_187] {strides = array<i32>} : memref<4x2048xf32, #tpu.memory_space<vmem>>, vector<16xf32>,
        tpu.vector_store %arg13[%parallel_loop3A_186, %parallel_loop3A_187], %parallel_loop3A_184 {strides = array<i32>} : memref<4x2048xf32, #tpu.memory_space<vmem>>, vector<16xf32>,
        %parallel_loop3A_189 = arith.constant 1 : i32
        %parallel_loop3A_190 = vector.broadcast %parallel_loop3A_189 : i32 to vector<16xi32>
        %parallel_loop3A_191 = tpu.vector_load_idx %arg9[%parallel_loop3A_190, %parallel_loop3A_181] : memref<4x2048xf32, #tpu.memory_space<vmem>>[vector<16xi32>, vector<16xi32>], vector<16xf32>,
        %parallel_loop3A_192 = arith.constant 1 : i32
        %parallel_loop3A_193 = arith.index_cast %parallel_loop3A_192 : i32 to index
        %parallel_loop3A_194 = arith.index_cast %parallel_loop3A_179 : i32 to index
        %parallel_loop3A_195 = tpu.vector_load %arg13[%parallel_loop3A_193, %parallel_loop3A_194] {strides = array<i32>} : memref<4x2048xf32, #tpu.memory_space<vmem>>, vector<16xf32>,
        tpu.vector_store %arg13[%parallel_loop3A_193, %parallel_loop3A_194], %parallel_loop3A_191 {strides = array<i32>} : memref<4x2048xf32, #tpu.memory_space<vmem>>, vector<16xf32>,
        %parallel_loop3A_196 = arith.constant 2 : i32
        %parallel_loop3A_197 = vector.broadcast %parallel_loop3A_196 : i32 to vector<16xi32>
        %parallel_loop3A_198 = tpu.vector_load_idx %arg9[%parallel_loop3A_197, %parallel_loop3A_181] : memref<4x2048xf32, #tpu.memory_space<vmem>>[vector<16xi32>, vector<16xi32>], vector<16xf32>,
        %parallel_loop3A_199 = arith.constant 2 : i32
        %parallel_loop3A_200 = arith.index_cast %parallel_loop3A_199 : i32 to index
        %parallel_loop3A_201 = arith.index_cast %parallel_loop3A_179 : i32 to index
        %parallel_loop3A_202 = tpu.vector_load %arg13[%parallel_loop3A_200, %parallel_loop3A_201] {strides = array<i32>} : memref<4x2048xf32, #tpu.memory_space<vmem>>, vector<16xf32>,
        tpu.vector_store %arg13[%parallel_loop3A_200, %parallel_loop3A_201], %parallel_loop3A_198 {strides = array<i32>} : memref<4x2048xf32, #tpu.memory_space<vmem>>, vector<16xf32>,
        %parallel_loop3A_203 = arith.constant 3 : i32
        %parallel_loop3A_204 = vector.broadcast %parallel_loop3A_203 : i32 to vector<16xi32>
        %parallel_loop3A_205 = tpu.vector_load_idx %arg9[%parallel_loop3A_204, %parallel_loop3A_181] : memref<4x2048xf32, #tpu.memory_space<vmem>>[vector<16xi32>, vector<16xi32>], vector<16xf32>,
        %parallel_loop3A_206 = arith.constant 3 : i32
        %parallel_loop3A_207 = arith.index_cast %parallel_loop3A_206 : i32 to index
        %parallel_loop3A_208 = arith.index_cast %parallel_loop3A_179 : i32 to index
        %parallel_loop3A_209 = tpu.vector_load %arg13[%parallel_loop3A_207, %parallel_loop3A_208] {strides = array<i32>} : memref<4x2048xf32, #tpu.memory_space<vmem>>, vector<16xf32>,
        tpu.vector_store %arg13[%parallel_loop3A_207, %parallel_loop3A_208], %parallel_loop3A_205 {strides = array<i32>} : memref<4x2048xf32, #tpu.memory_space<vmem>>, vector<16xf32>,
      } {sc.loop_unroll_factor = 8 : i64, sc.parallel_access}
      %mul3A_163 = arith.constant 4 : i32
      %mul3A_164 = arith.muli %add3A_147, %mul3A_163 : i32
      %add3A_165 = arith.addi %mul3A_2, %mul3A_164 : i32
      %dma_start3A_166 = arith.constant 0 : i32
      %dma_start3A_167 = tpu.memref_slice %arg4[%add3A_165, %dma_start3A_166] : memref<16384x2048xf32, #tpu.memory_space<hbm>> -> memref<4x2048xf32, #tpu.memory_space<hbm>>
      %dma_start3A_168 = arith.constant 0 : i32
      %dma_start3A_169 = tpu.memref_slice %arg4[%add3A_165, %dma_start3A_168] : memref<16384x2048xf32, #tpu.memory_space<hbm>> -> memref<4x2048xf32, #tpu.memory_space<hbm>>
      tpu.enqueue_dma source(%arg13 : memref<4x2048xf32, #tpu.memory_space<vmem>>) target(%dma_start3A_169 : memref<4x2048xf32, #tpu.memory_space<hbm>>) target_semaphore(%arg21 : memref<!tpu.dma_semaphore, #tpu.memory_space<semaphore_mem>>)
      %add3A_170 = arith.constant 4 : i32
      %add3A_171 = arith.addi %add3A_147, %add3A_170 : i32
      %lt3A_172 = arith.constant 128 : i32
      %lt3A_173 = arith.cmpi slt, %add3A_171, %lt3A_172 : i32
      %convert_element_type3A_174 = arith.extui %lt3A_173 : i1 to i32
      %cond3A_175 = arith.constant 0 : i32
      %cond3A_176 = arith.cmpi ne, %convert_element_type3A_174, %cond3A_175 : i32
      scf.if %cond3A_176 {
        %add3A_177 = arith.constant 4 : i32
        %add3A_178 = arith.addi %add3A_147, %add3A_177 : i32
        %mul3A_179 = arith.constant 4 : i32
        %mul3A_180 = arith.muli %add3A_178, %mul3A_179 : i32
        %add3A_181 = arith.addi %mul3A_2, %mul3A_180 : i32
        %dma_start3A_182 = arith.constant 0 : i32
        %dma_start3A_183 = tpu.memref_slice %arg2[%add3A_181, %dma_start3A_182] : memref<16384x2048xf32, #tpu.memory_space<hbm>> -> memref<4x2048xf32, #tpu.memory_space<hbm>>
        %dma_start3A_184 = arith.constant 0 : i32
        %dma_start3A_185 = tpu.memref_slice %arg2[%add3A_181, %dma_start3A_184] : memref<16384x2048xf32, #tpu.memory_space<hbm>> -> memref<4x2048xf32, #tpu.memory_space<hbm>>
        tpu.enqueue_dma source(%dma_start3A_185 : memref<4x2048xf32, #tpu.memory_space<hbm>>) target(%arg9 : memref<4x2048xf32, #tpu.memory_space<vmem>>) target_semaphore(%arg17 : memref<!tpu.dma_semaphore, #tpu.memory_space<semaphore_mem>>)
      } else {
      }
    }
    %scan3A_29 = arith.constant 32 : i32
    %add3A_30 = arith.constant 496 : i32
    %add3A_31 = arith.addi %mul3A_2, %add3A_30 : i32
    %dma_wait3A = arith.constant 0 : i32
    %dma_wait3A_32 = tpu.memref_slice %arg4[%add3A_31, %dma_wait3A] : memref<16384x2048xf32, #tpu.memory_space<hbm>> -> memref<4x2048xf32, #tpu.memory_space<hbm>>
    %dma_wait3A_33 = arith.constant 0 : i32
    %dma_wait3A_34 = tpu.memref_slice %arg4[%add3A_31, %dma_wait3A_33] : memref<16384x2048xf32, #tpu.memory_space<hbm>> -> memref<4x2048xf32, #tpu.memory_space<hbm>>
    tpu.wait_dma2 semaphore(%arg18 : memref<!tpu.dma_semaphore, #tpu.memory_space<semaphore_mem>>) src(%arg10 : memref<4x2048xf32, #tpu.memory_space<vmem>>) dst(%dma_wait3A_34 : memref<4x2048xf32, #tpu.memory_space<hbm>>)
    %add3A_35 = arith.constant 500 : i32
    %add3A_36 = arith.addi %mul3A_2, %add3A_35 : i32
    %dma_wait3A_37 = arith.constant 0 : i32
    %dma_wait3A_38 = tpu.memref_slice %arg4[%add3A_36, %dma_wait3A_37] : memref<16384x2048xf32, #tpu.memory_space<hbm>> -> memref<4x2048xf32, #tpu.memory_space<hbm>>
    %dma_wait3A_39 = arith.constant 0 : i32
    %dma_wait3A_40 = tpu.memref_slice %arg4[%add3A_36, %dma_wait3A_39] : memref<16384x2048xf32, #tpu.memory_space<hbm>> -> memref<4x2048xf32, #tpu.memory_space<hbm>>
    tpu.wait_dma2 semaphore(%arg19 : memref<!tpu.dma_semaphore, #tpu.memory_space<semaphore_mem>>) src(%arg11 : memref<4x2048xf32, #tpu.memory_space<vmem>>) dst(%dma_wait3A_40 : memref<4x2048xf32, #tpu.memory_space<hbm>>)
    %add3A_41 = arith.constant 504 : i32
    %add3A_42 = arith.addi %mul3A_2, %add3A_41 : i32
    %dma_wait3A_43 = arith.constant 0 : i32
    %dma_wait3A_44 = tpu.memref_slice %arg4[%add3A_42, %dma_wait3A_43] : memref<16384x2048xf32, #tpu.memory_space<hbm>> -> memref<4x2048xf32, #tpu.memory_space<hbm>>
    %dma_wait3A_45 = arith.constant 0 : i32
    %dma_wait3A_46 = tpu.memref_slice %arg4[%add3A_42, %dma_wait3A_45] : memref<16384x2048xf32, #tpu.memory_space<hbm>> -> memref<4x2048xf32, #tpu.memory_space<hbm>>
    tpu.wait_dma2 semaphore(%arg20 : memref<!tpu.dma_semaphore, #tpu.memory_space<semaphore_mem>>) src(%arg12 : memref<4x2048xf32, #tpu.memory_space<vmem>>) dst(%dma_wait3A_46 : memref<4x2048xf32, #tpu.memory_space<hbm>>)
    %add3A_47 = arith.constant 508 : i32
    %add3A_48 = arith.addi %mul3A_2, %add3A_47 : i32
    %dma_wait3A_49 = arith.constant 0 : i32
    %dma_wait3A_50 = tpu.memref_slice %arg4[%add3A_48, %dma_wait3A_49] : memref<16384x2048xf32, #tpu.memory_space<hbm>> -> memref<4x2048xf32, #tpu.memory_space<hbm>>
    %dma_wait3A_51 = arith.constant 0 : i32
    %dma_wait3A_52 = tpu.memref_slice %arg4[%add3A_48, %dma_wait3A_51] : memref<16384x2048xf32, #tpu.memory_space<hbm>> -> memref<4x2048xf32, #tpu.memory_space<hbm>>
    tpu.wait_dma2 semaphore(%arg21 : memref<!tpu.dma_semaphore, #tpu.memory_space<semaphore_mem>>) src(%arg13 : memref<4x2048xf32, #tpu.memory_space<vmem>>) dst(%dma_wait3A_52 : memref<4x2048xf32, #tpu.memory_space<hbm>>)
    return
  }
}

</mosaic_0001>

<sc_bundles>
// kernel: _permute.3.cloned.1.call-start
scs
__scs_entry_jumppad:
0x0: {  	(pc) =	sbr.rel $0x88, $3  }
0x1: {  	(tag) =	ssettag $0x0;
	lr =	simm.s32 $0x1  }
0x2: {  	[smem:$0x3F9F] =	sst lr;
	_ =	strace $0xD0000000  }
0x3: {  	_ = 	snop  }
0x4: {  	_ = 	snop  }
0x5: {  	_ = 	snop  }
0x6: {  	_ = 	snop  }
0x7: {  	_ = 	snop  }
__scs_overlays_trampoline_lowered:
0x8: {  	[smem:$0x3FAE] =	sst s0  }
0x9: {  	[smem:$0x3FAF] =	sst s1  }
0xa: {  	[smem:$0x3FB0] =	sst s2  }
0xb: {  	[smem:$0x3FB1] =	sst s3  }
0xc: {  	[smem:$0x3FB2] =	sst s4  }
0xd: {  	[smem:$0x3FB3] =	sst s5  }
0xe: {  	[smem:$0x3FB4] =	sst s6  }
0xf: {  	[smem:$0x3FB5] =	sst s7  }
0x10: {  	[smem:$0x3FB6] =	sst s8  }
0x11: {  	[smem:$0x3FB7] =	sst s9;
	s0 =	simm.s32 @!p0 $0x0  }
0x12: {  	s1 =	sld [smem:$0x3F9D];
	s0 =	simm.s32 @p0 $0x1  }
0x13: {  	[smem:$0x3FB8] =	sst s0;
	s0 =	simm.s32 @!p1 $0x0  }
0x14: {  	s2 =	sld [smem:$0x3F9C];
	s0 =	simm.s32 @p1 $0x1  }
0x15: {  	[smem:$0x3FB9] =	sst s0;
	s0 =	simm.s32 @!p2 $0x0  }
0x16: {  	s3 =	sld [smem:$0x3FDB];
	s0 =	simm.s32 @p2 $0x1  }
0x17: {  	s4 =	simm.s32 $0x1BF5;
	[smem:$0x3FBB] =	sst s0  }
0x18: {  	s0 =	sld [smem:$0x3F9E];
	_ =	swait.ge [sflag:s4], $0x0  }
0x19: {  	s7 =	sld [smem:$0x3F9F]  }
0x1a: {  	s8 =	sadd.s32 $0xFFFFE003, lr  }
0x1b: {  	s9 =	sadd.s32 $0xFFFFFEF7, lr;
	s5 =	simm.s32 $0xFFFFFFFF;
	p2 =	slt.u32 s8, $0xFFFFF086  }
0x1c: {  	p1 =	slt.u32 s9, $0xF7A;
	s5 =	simm.s32 @!p2 $0x0  }
0x1d: {  	s5 =	simm.s32 @p1 $0x1;
	p0 =	seq.s32 s7, s2  }
0x1e: {  	s7 =	smul.u32 @!p0 $0xF7A, s2;
	p2 =	seq.s32 @!p0 s5, $0x0  }
0x1f: {  	s9 =	smul.u32 $0xF7A, s1;
	s8 =	simm.s32 @!p0 $0x1BF5;
	p2 =	por !p2, p0  }
0x20: {  	[sflag:s8] =	ssyncset.s32 @!p0 $0xFFFFF086;
	s6 =	sadd.s32 @!p0 s3, s7;
	s7 =	simm.s32 @!p0 $0x108  }
0x21: {  	s3 =	sadd.s32 s3, s9;
	s6 =	sadd.s32 @!p0 $0x88, s6;
	s7 =	simm.s32 @p2 $0x1082  }
0x22: {  	[simem:s7], [sflag:s8] =	dma.local @!p0 [hbm:s6], $0xF7A  }
0x23: {  	s9 =	sor.u32 $0xD0000000, s2;
	s6 =	simm.s32 $0x108;
	_ =	swait.ge @!p0 [sflag:s8], $0x0  }
0x24: {  	s3 =	sadd.s32 $0x88, s3;
	s6 =	simm.s32 @!p1 $0x1082;
	[sflag:s4] =	ssyncset.s32 $0xFFFFF086  }
0x25: {  	[simem:s6], [sflag:s4] =	dma.local [hbm:s3], $0xF7A  }
0x26: {  	[smem:$0x3F9F] =	sst s1;
	(tag) =	ssettag s2;
	_ =	strace s9  }
0x27: {  	s1 =	sld [smem:$0x3FAF]  }
0x28: {  	s2 =	sld [smem:$0x3FB0]  }
0x29: {  	s4 =	sld [smem:$0x3FB2]  }
0x2a: {  	p0 =	seq.s32 s5, $0x0;
	s5 =	sld [smem:$0x3FB3]  }
0x2b: {  	s6 =	sld [smem:$0x3FB4]  }
0x2c: {  	s7 =	sld [smem:$0x3FB5]  }
0x2d: {  	s3 =	simm.s32 $0x108;
	s8 =	sld [smem:$0x3FB6]  }
0x2e: {  	s3 =	simm.s32 @!p0 $0x1082;
	s9 =	sld [smem:$0x3FB7]  }
0x2f: {  	lr =	sadd.s32 s0, s3;
	s0 =	sld [smem:$0x3FAE]  }
0x30: {  	s3 =	sld [smem:$0x3FB1]  }
0x31: {  	[smem:$0x3FBA] =	sst s10  }
0x32: {  	s10 =	sld [smem:$0x3FB8];
	_ =	sdelay $0x3  }
0x33: {  	p0 =	seq.s32 s10, $0x1;
	s10 =	sld [smem:$0x3FBA];
	_ =	sdelay $0x3  }
0x34: {  	[smem:$0x3FBA] =	sst s10  }
0x35: {  	s10 =	sld [smem:$0x3FB9];
	_ =	sdelay $0x3  }
0x36: {  	p1 =	seq.s32 s10, $0x1;
	s10 =	sld [smem:$0x3FBA];
	_ =	sdelay $0x3  }
0x37: {  	[smem:$0x3FBA] =	sst s10  }
0x38: {  	s10 =	sld [smem:$0x3FBB]  }
0x39: {  	_ = 	snop;
	(pc) =	sbr.ind lr, $3  }
0x3a: {  	_ = 	snop  }
0x3b: {  	_ = 	snop  }
0x3c: {  	p2 =	seq.s32 s10, $0x1;
	s10 =	sld [smem:$0x3FBA]  }
0x3d: {  	_ =	shalt  }
0x3e: {  	_ =	shalt  }
0x3f: {  	_ =	shalt  }
0x40: {  	_ =	shalt  }
0x41: {  	_ =	shalt  }
0x42: {  	_ =	shalt  }
0x43: {  	_ =	shalt  }
0x44: {  	_ =	shalt  }
0x45: {  	_ =	shalt  }
0x46: {  	_ =	shalt  }
0x47: {  	_ =	shalt  }
0x48: {  	_ =	shalt  }
0x49: {  	_ =	shalt  }
0x4a: {  	_ =	shalt  }
0x4b: {  	_ =	shalt  }
0x4c: {  	_ =	shalt  }
0x4d: {  	_ =	shalt  }
0x4e: {  	_ =	shalt  }
0x4f: {  	_ =	shalt  }
0x50: {  	_ =	shalt  }
0x51: {  	_ =	shalt  }
0x52: {  	_ =	shalt  }
0x53: {  	_ =	shalt  }
0x54: {  	_ =	shalt  }
0x55: {  	_ =	shalt  }
0x56: {  	_ =	shalt  }
0x57: {  	_ =	shalt  }
0x58: {  	_ =	shalt  }
0x59: {  	_ =	shalt  }
0x5a: {  	_ =	shalt  }
0x5b: {  	_ =	shalt  }
0x5c: {  	_ =	shalt  }
0x5d: {  	_ =	shalt  }
0x5e: {  	_ =	shalt  }
0x5f: {  	_ =	shalt  }
0x60: {  	_ =	shalt  }
0x61: {  	_ =	shalt  }
0x62: {  	_ =	shalt  }
0x63: {  	_ =	shalt  }
0x64: {  	_ =	shalt  }
0x65: {  	_ =	shalt  }
0x66: {  	_ =	shalt  }
0x67: {  	_ =	shalt  }
0x68: {  	_ =	shalt  }
0x69: {  	_ =	shalt  }
0x6a: {  	_ =	shalt  }
0x6b: {  	_ =	shalt  }
0x6c: {  	_ =	shalt  }
0x6d: {  	_ =	shalt  }
0x6e: {  	_ =	shalt  }
0x6f: {  	_ =	shalt  }
0x70: {  	_ =	shalt  }
0x71: {  	_ =	shalt  }
0x72: {  	_ =	shalt  }
0x73: {  	_ =	shalt  }
0x74: {  	_ =	shalt  }
0x75: {  	_ =	shalt  }
0x76: {  	_ =	shalt  }
0x77: {  	_ =	shalt  }
0x78: {  	_ =	shalt  }
0x79: {  	_ =	shalt  }
0x7a: {  	_ =	shalt  }
0x7b: {  	_ =	shalt  }
0x7c: {  	_ =	shalt  }
0x7d: {  	_ =	shalt  }
0x7e: {  	_ =	shalt  }
0x7f: {  	_ =	shalt  }
0x80: {  	_ =	shalt  }
0x81: {  	_ =	shalt  }
0x82: {  	_ =	shalt  }
0x83: {  	_ =	shalt  }
0x84: {  	_ =	shalt  }
0x85: {  	_ =	shalt  }
0x86: {  	_ =	shalt  }
0x87: {  	_ =	shalt  }
.Lfunc_end0:
.L_simem_size_0:
called_computation_lowered:
.L_overlay_start_0:
0x88: {  	s2 =	sld [smem:$0x3FD9]  }
0x89: {  	s3 =	sld [smem:$0x3FFE];
	_ =	sdelay $0x1  }
0x8a: {  	s1 =	srdreg.scid  }
0x8b: {  	s0 =	sand.u32 $0x1, s1  }
0x8c: {  	s18 =	sshll.u32 s0, $0xA;
	s2 =	sadd.s32 s3, s2  }
0x8d: {  	s2 =	sadd.s32 s2, s18  }
0x8e: {  	[smem:$0x3FC6] =	sst s2  }
0x8f: {  	_ = 	snop  }
0x90: {  	s2 =	sld [smem:$0x3FC9]  }
0x91: {  	s19 =	sld [smem:$0x3FC8]  }
0x92: {  	s4 =	sld [smem:$0x3FD0];
	(tm) =	ssettm $0x1  }
0x93: {  	s5 =	sld [smem:$0x3FFB];
	_ =	sdelay $0x3  }
0x94: {  	_ =	strace s5  }
0x95: {  	s5 =	sld [smem:$0x3FFC];
	_ =	sdelay $0x3  }
0x96: {  	_ =	strace s5  }
0x97: {  	s5 =	sld [smem:$0x3FFD];
	_ =	sdelay $0x3  }
0x98: {  	_ =	strace s5  }
0x99: {  	_ =	strace $0x8FFFFFFF  }
0x9a: {  	s20 =	sld [smem:$0x3FDB];
	_ =	sdelay $0x1  }
0x9b: {  	s6 =	simm.s32 $_scs_section_size  }
0x9c: {  	s7 =	simm.s32 $_size__tile_overlayer_lowered;
	s8 =	simm.s32 $_tile_overlayer_lowered  }
0x9d: {  	s23 =	simm.s32 $0x1BFF;
	s22 =	sshll.u32 s8, $0x1;
	s5 =	sadd.s32 s6, s20  }
0x9e: {  	s9 =	simm.s32 $0x0;
	s21 =	sshll.u32 s7, $0x1;
	s7 =	sadd.s32 s22, s5  }
0x9f: {  	[timem:s9], [sflag:s23] =	dma.local [hbm:s7], s21  }
0xa0: {  	_ =	swait.ge [sflag:s23], s21  }
0xa1: {  	s6 =	ssub.s32 $0x0, s21;
	[sflag:s23] =	ssyncset.done $0x0  }
0xa2: {  	[sflag:s23] =	ssyncadd.s32 s6;
	_ =	sdelay $0x1  }
0xa3: {  	s24 =	simm.s32 $0x1B8B  }
0xa4: {  	_ =	swait.ge [sflag:s24], $0x1  }
0xa5: {  	[sflag:s24] =	ssyncset.done $0x0  }
0xa6: {  	s25 =	simm.s32 $0x1B8E;
	[sflag:s24] =	ssyncadd.s32 $0xFFFFFFFF  }
0xa7: {  	s26 =	simm.s32 $execute0_lowered;
	[smem:$0x3FD2] =	sst s25  }
0xa8: {  	s6 =	sshll.u32 s26, $0x1;
	_ =	strace $0x80000046;
	[dreg:$0x1] =	wrdreg $0xFFFFFFFF  }
0xa9: {  	s28 =	simm.s32 $_size_execute0_lowered;
	s5 =	sadd.s32 s5, s6;
	[dreg:$0x0] =	wrdreg $0x0  }
0xaa: {  	s6 =	sshll.u32 s28, $0x1;
	[dreg:$0x2] =	wrdreg s5  }
0xab: {  	[dreg:$0x3] =	wrdreg s6  }
0xac: {  	[dreg:$0x4] =	wrdreg $0xC0  }
0xad: {  	_ =	task [dreg:s9], $0x5FFFF  }
0xae: {  	[dreg:$0x1] =	wrdreg $0xFFFFFFFF  }
0xaf: {  	[dreg:$0x0] =	wrdreg $0x60  }
0xb0: {  	[dreg:$0x2] =	wrdreg s2  }
0xb1: {  	[dreg:$0x3] =	wrdreg s19  }
0xb2: {  	[dreg:$0x4] =	wrdreg s4  }
0xb3: {  	[dreg:$0x5] =	wrdreg $0x9  }
0xb4: {  	_ =	task.clear_ibuf [dreg:s9], $0x6FFFF;
	_ =	strace $0x90000046  }
0xb5: {  	s29 =	simm.s32 $0x9;
	_ =	strace $0x80000048  }
0xb6: {  	_ =	swait.ge [sflag:s29], $0x1  }
0xb7: {  	[sflag:s29] =	ssyncadd.s32 $0xFFFFFFFF  }
0xb8: {  	_ =	strace $0x90000048  }
0xb9: {  	_ =	sfence  }
0xba: {  	s30 =	sld [smem:$0x0];
	_ =	sdelay $0x2  }
0xbb: {  	s31 =	sshll.u32 s1, $0xD;
	s1 =	sshrl.u32 s1, $0x2  }
0xbc: {  	s3 =	sand.u32 $0x4000, s31;
	s1 =	sadd.s32 s1, s30  }
0xbd: {  	s0 =	sor.u32 s3, s0;
	s1 =	sshll.u32 s1, $0x11  }
0xbe: {  	s0 =	sor.u32 s1, s0  }
0xbf: {  	s0 =	sadd.s32 $0x8F2B, s0  }
0xc0: {  	[sflag:s0] =	ssyncadd.remote.s32 $0x1  }
0xc1: {  	_ =	sfence.sel $0xFFFF  }
0xc2: {  	[dreg:$0x0] =	wrdreg $0xFFFFFFFF;
	(pc) =	sbr.abs _section_cstart, $3  }
0xc3: {  	[dreg:$0x1] =	wrdreg $0xFFFFFFFF  }
0xc4: {  	_ =	task.clear_ibuf [dreg:s9], $0x2FFFF;
	_ =	strace $0x9FFFFFFF  }
0xc5: {  	(tm) =	ssettm $0x7FFFFFFF  }
tec
execute0_lowered:
.L_overlay_start_1:
0x0: {  	(tag) =	ssettag $0x1  }
0x1: {  	s0 =	rddreg [dreg:$0x0]  }
0x2: {  	s3 =	rddreg [dreg:$0x2]  }
0x3: {  	s1 =	srdreg.scid;
	s5 =	simm.s32 $0x0;
	s4 =	stileid.u32  }
0x4: {  	s18 =	simm.s32 $0x200;
	s19 =	simm.s32 $0x400;
	s20 =	simm.s32 $0x800  }
0x5: {  	s28 =	simm.s32 $0x6;
	s29 =	simm.s32 $0xA800;
	s30 =	simm.s32 $0x3  }
0x6: {  	s31 =	simm.s32 $0x7;
	s7 =	simm.s32 $0x0;
	s1 =	sand.u32 $0x1, s1  }
0x7: {  	s4 =	sshll.u32 s4, $0x12;
	[smem:$0x7FF] =	sst s5;
	s11 =	sadd.s32 $0x40, s3  }
0x8: {  	s2 =	ssub.s32 $0x2, s1;
	s1 =	sshll.u32 s1, $0x11;
	_ =	strace $0x80000047  }
0x9: {  	s6 =	sshrl.u32 s2, $0x1;
	s5 =	sor.u32 s1, s4;
	s1 =	simm.s32 $0x8  }
0xa: {  	s4 =	simm.s32 $0xE800;
	s21 =	ssub.s32 s2, s6;
	s0 =	sadd.s32 s0, s5  }
0xb: {  	s16 =	sor.u32 $0x800, s5;
	s2 =	simm.s32 $0x4;
	s22 =	sadd.s32 $0x40, s0  }
0xc: {  	s23 =	sadd.s32 $0x800, s0;
	s24 =	sadd.s32 $0x840, s0;
	[dreg:$0x4] =	wrdreg s0  }
0xd: {  	s25 =	sadd.s32 $0x1000, s0;
	s12 =	sadd.s32 $0x1040, s0;
	[dreg:$0x5] =	wrdreg s22  }
.Ltmp0:
0xe: {  	s13 =	sadd.s32 $0x1800, s0;
	[dreg:$0x6] =	wrdreg s23;
	(pc) =	sbr.rel .LBB2_1-.Ltmp0, $4  }
0xf: {  	s14 =	sadd.s32 $0x1840, s0;
	s26 =	smax.u32 s21, $0x1;
	[dreg:$0x7] =	wrdreg s24  }
0x10: {  	s21 =	simm.s32 $0x2800;
	s0 =	simm.s32 $0xC800;
	[dreg:$0x8] =	wrdreg s25  }
0x11: {  	[dreg:$0x9] =	wrdreg s26;
	s22 =	simm.s32 $0x4800;
	s23 =	simm.s32 $0x6800  }
0x12: {  	s24 =	simm.s32 $0x1;
	s25 =	simm.s32 $0x8800;
	s26 =	simm.s32 $0x2  }
.LBB2_24:
0x13: {  	s6 =	simm.s32 $0x5  }
0x14: {  	_ =	swait.ge [sflag:s6], $0x2000  }
0x15: {  	[sflag:s6] =	ssyncset.done $0x0  }
0x16: {  	[sflag:s6] =	ssyncadd.s32 $0xFFFFE000  }
0x17: {  	_ =	swait.ge [sflag:s28], $0x2000  }
0x18: {  	[sflag:s28] =	ssyncset.done $0x0  }
0x19: {  	[sflag:s28] =	ssyncadd.s32 $0xFFFFE000  }
0x1a: {  	_ =	swait.ge [sflag:s31], $0x2000  }
0x1b: {  	[sflag:s31] =	ssyncset.done $0x0  }
0x1c: {  	[sflag:s31] =	ssyncadd.s32 $0xFFFFE000  }
0x1d: {  	_ =	swait.ge [sflag:s1], $0x2000  }
0x1e: {  	s7 =	rddreg [dreg:$0xa]  }
0x1f: {  	s17 =	rddreg [dreg:$0x9];
	s7 =	sadd.s32 $0x1, s7  }
0x20: {  	p0 =	sne.s32 s7, s17  }
.Ltmp1:
0x21: {  	_ = 	snop;
	(pc) =	sbr.rel @!p0 .LBB2_25-.Ltmp1, $3  }
0x22: {  	_ =	sdelay $0x1  }
0x23: {  	[sflag:s1] =	ssyncset.done $0x0  }
0x24: {  	[sflag:s1] =	ssyncadd.s32 $0xFFFFE000  }
.LBB2_1:
0x25: {  	[dreg:$0xa] =	wrdreg s7  }
0x26: {  	s6 =	rddreg [dreg:$0x1];
	s17 =	simm.s32 $0x0;
	s8 =	simm.s32 $0x9  }
0x27: {  	[tilespmem:s17], [sflag:$0x9] =	stream.linear.gather [hbm4b:s6+s17], $0x800, $0x38;
	[tilespmem:$0x10800] =	vst v63  }
0x28: {  	_ =	swait.ge [sflag:s8], $0x800  }
0x29: {  	[sflag:s8] =	ssyncset.done $0x0  }
0x2a: {  	s9 =	rddreg [dreg:$0x4];
	[sflag:s8] =	ssyncadd.s32 $0xFFFFF800  }
0x2b: {  	[tilespmem:s20], [sflag:$0x1] =	stream.strided.gather [hbm4b:s9+s18], $0x2000, s19, s18, $0x38;
	[tilespmem:$0x10800] =	vst v63  }
0x2c: {  	s10 =	rddreg [dreg:$0x5]  }
0x2d: {  	[tilespmem:s21], [sflag:$0x2] =	stream.strided.gather [hbm4b:s10+s18], $0x2000, s19, s18, $0x38;
	[tilespmem:$0x10800] =	vst v63  }
0x2e: {  	s15 =	rddreg [dreg:$0x6]  }
0x2f: {  	[tilespmem:s22], [sflag:$0x3] =	stream.strided.gather [hbm4b:s15+s18], $0x2000, s19, s18, $0x38;
	[tilespmem:$0x10800] =	vst v63  }
0x30: {  	s17 =	rddreg [dreg:$0x7];
	s9 =	simm.s32 $0x0  }
0x31: {  	[tilespmem:s23], [sflag:$0x4] =	stream.strided.gather [hbm4b:s17+s18], $0x2000, s19, s18, $0x38;
	[tilespmem:$0x10800] =	vst v63  }
.LBB2_2:
0x32: {  	_ =	swait.ge [sflag:s24], $0x2000  }
0x33: {  	p0 =	seq.s32 s9, $0x0;
	[sflag:s24] =	ssyncset.done $0x0  }
0x34: {  	s6 =	simm.s32 @!p0 $0x5;
	[sflag:s24] =	ssyncadd.s32 $0xFFFFE000  }
0x35: {  	_ =	swait.ge @!p0 [sflag:s6], $0x2000  }
0x36: {  	[sflag:s6] =	ssyncset.done @!p0 $0x0  }
0x37: {  	s17 =	simm.s32 $0x40;
	[sflag:s6] =	ssyncadd.s32 @!p0 $0xFFFFE000  }
0x38: {  	v0 =	vld [tilespmem:s17+$0xFFFFFFC0]  }
0x39: {  	v1 =	vld [tilespmem:s17+$0x10]  }
0x3a: {  	v3 =	vld [tilespmem:s17+$0xFFFFFFE0]  }
0x3b: {  	v2 =	vld [tilespmem:s17+$0x0];
	_ =	sdelay $0x1  }
0x3c: {  	v6 =	vld [tilespmem:s17+$0x20]  }
0x3d: {  	v7 =	vld [tilespmem:s17+$0xFFFFFFF0];
	v4 =	vshll.u32 v0, $0x2;
	v0 =	vand.u32 $0x7F, v0;
	v5 =	vshll.u32 v1, $0x2  }
0x3e: {  	v1 =	vand.u32 $0x7F, v1;
	v9 =	vshll.u32 v3, $0x2;
	v4 =	vand.u32 $0xFFFFFE00, v4  }
0x3f: {  	v8 =	vld [tilespmem:s17+$0xFFFFFFD0];
	v3 =	vand.u32 $0x7F, v3;
	v4 =	vor.u32 v0, v4;
	v0 =	vshll.u32 v2, $0x2  }
0x40: {  	v5 =	vand.u32 $0xFFFFFE00, v5;
	v2 =	vand.u32 $0x7F, v2;
	v0 =	vand.u32 $0xFFFFFE00, v0  }
0x41: {  	v5 =	vor.u32 v1, v5;
	v0 =	vor.u32 v2, v0;
	v2 =	vand.u32 $0xFFFFFE00, v9;
	v9 =	vld [tilespmem:s17+$0x30]  }
0x42: {  	v11 =	vand.u32 $0x7F, v7;
	v2 =	vor.u32 v3, v2;
	v3 =	vshll.u32 v6, $0x2  }
0x43: {  	v1 =	vand.u32 $0x7F, v6;
	v13 =	vor.u32 $0x80, v4;
	v3 =	vand.u32 $0xFFFFFE00, v3  }
0x44: {  	v6 =	vshll.u32 v7, $0x2;
	v10 =	vld.idx.msk [tilespmem:v4+s20+$0x0], $0xffff;
	v1 =	vor.u32 v1, v3;
	v3 =	vshll.u32 v8, $0x2  }
0x45: {  	v6 =	vand.u32 $0xFFFFFE00, v6;
	v8 =	vand.u32 $0x7F, v8;
	v3 =	vand.u32 $0xFFFFFE00, v3  }
0x46: {  	v6 =	vor.u32 v11, v6;
	v17 =	vld.idx.msk [tilespmem:v5+s20+$0x0], $0xffff;
	v7 =	vor.u32 v8, v3;
	v3 =	vshll.u32 v9, $0x2  }
0x47: {  	v12 =	vld.idx.msk [tilespmem:v0+s20+$0x0], $0xffff;
	v8 =	vand.u32 $0x7F, v9;
	v3 =	vand.u32 $0xFFFFFE00, v3  }
0x48: {  	s17 =	simm.s32 $0x8900;
	v11 =	vld.idx.msk [tilespmem:v2+s20+$0x0], $0xffff;
	v3 =	vor.u32 v8, v3  }
0x49: {  	v20 =	vor.u32 $0x80, v0;
	[tilespmem:s17+$0xFFFFFF00] =	vst v10;
	v9 =	vld.idx.msk [tilespmem:v1+s20+$0x0], $0xffff  }
0x4a: {  	v18 =	vld.idx.msk [tilespmem:v13+s20+$0x0], $0xffff;
	v13 =	vor.u32 $0x80, v5  }
0x4b: {  	s15 =	sshll.u32 s9, $0xC;
	s7 =	simm.s32 $0x0;
	v15 =	vor.u32 $0x80, v2;
	v16 =	vld.idx.msk [tilespmem:v6+s20+$0x0], $0xffff  }
0x4c: {  	s8 =	simm.s32 $0xC0;
	s10 =	simm.s32 $0x8900;
	s6 =	sor.u32 s5, s15;
	v14 =	vor.u32 $0x80, v7;
	v8 =	vor.u32 $0x80, v3;
	v10 =	vor.u32 $0x80, v1;
	v19 =	vld.idx.msk [tilespmem:v7+s20+$0x0], $0xffff  }
.LBB2_3:
0x4d: {  	s7 =	sadd.s32 $0x8, s7;
	[tilespmem:s17+$0xFFFFFF40] =	vst v12;
	v12 =	vld.idx.msk [tilespmem:v3+s20+$0x0], $0xffff;
	s10 =	sadd.s32 $0x200, s10  }
0x4e: {  	p1 =	slt.u32 s7, $0x78;
	v20 =	vld.idx.msk [tilespmem:v20+s20+$0x0], $0xffff;
	[tilespmem:s17+$0xFFFFFF50] =	vst v17  }
0x4f: {  	v17 =	vor.u32 $0x100, v4;
	v13 =	vld.idx.msk [tilespmem:v13+s20+$0x0], $0xffff  }
0x50: {  	v21 =	vld [tilespmem:s8+$0x10];
	[tilespmem:s17+$0xFFFFFF80] =	vst v18  }
0x51: {  	v18 =	vld [tilespmem:s8+$0xFFFFFFE0];
	[tilespmem:s17+$0xFFFFFF10] =	vst v19;
	v19 =	vor.u32 $0x80, v6  }
0x52: {  	v14 =	vld.idx.msk [tilespmem:v14+s20+$0x0], $0xffff;
	[tilespmem:s17+$0xFFFFFF20] =	vst v11  }
0x53: {  	v11 =	vld.idx.msk [tilespmem:v15+s20+$0x0], $0xffff;
	[tilespmem:s17+$0xFFFFFF70] =	vst v12  }
0x54: {  	v12 =	vld.idx.msk [tilespmem:v17+s20+$0x0], $0xffff;
	[tilespmem:s17+$0xFFFFFFC0] =	vst v20  }
0x55: {  	v15 =	vld [tilespmem:s8+$0xFFFFFFF0];
	[tilespmem:s17+$0xFFFFFF30] =	vst v16  }
0x56: {  	v16 =	vld.idx.msk [tilespmem:v19+s20+$0x0], $0xffff;
	[tilespmem:s17+$0xFFFFFFD0] =	vst v13  }
0x57: {  	v13 =	vld [tilespmem:s8+$0xFFFFFFC0];
	[tilespmem:s17+$0xFFFFFF60] =	vst v9  }
0x58: {  	[tilespmem:s17+$0xFFFFFF90] =	vst v14;
	v8 =	vld.idx.msk [tilespmem:v8+s20+$0x0], $0xffff  }
0x59: {  	v9 =	vld [tilespmem:s8+$0x20];
	[tilespmem:s17+$0xFFFFFFA0] =	vst v11;
	v11 =	vor.u32 $0x100, v5  }
0x5a: {  	v14 =	vld [tilespmem:s8+$0x30];
	[tilespmem:s17+$0x0] =	vst v12;
	v12 =	vor.u32 $0x100, v7  }
0x5b: {  	v19 =	vor.u32 $0x100, v6;
	v17 =	vld [tilespmem:s8+$0xFFFFFFD0]  }
0x5c: {  	v20 =	vor.u32 $0x180, v4;
	[tilespmem:s17+$0xFFFFFFB0] =	vst v16;
	v10 =	vld.idx.msk [tilespmem:v10+s20+$0x0], $0xffff  }
0x5d: {  	v22 =	vor.u32 $0x100, v2;
	v23 =	vor.u32 $0x180, v5;
	v5 =	vor.u32 $0x100, v1;
	v16 =	vld [tilespmem:s8+$0x0]  }
0x5e: {  	v24 =	vor.u32 $0x100, v0;
	v4 =	vshll.u32 v13, $0x2;
	v11 =	vld.idx.msk [tilespmem:v11+s20+$0x0], $0xffff;
	[tilespmem:s17+$0xFFFFFFF0] =	vst v8;
	v8 =	vor.u32 $0x100, v3  }
0x5f: {  	v4 =	vand.u32 $0xFFFFFE00, v4;
	v25 =	vand.u32 $0x7F, v14;
	v14 =	vshll.u32 v14, $0x2;
	v12 =	vld.idx.msk [tilespmem:v12+s20+$0x0], $0xffff  }
0x60: {  	v6 =	vor.u32 $0x180, v6;
	v13 =	vand.u32 $0x7F, v13;
	v14 =	vand.u32 $0xFFFFFE00, v14;
	v19 =	vld.idx.msk [tilespmem:v19+s20+$0x0], $0xffff  }
0x61: {  	v7 =	vor.u32 $0x180, v7;
	v4 =	vor.u32 v13, v4;
	v13 =	vshll.u32 v21, $0x2;
	v20 =	vld.idx.msk [tilespmem:v20+s20+$0x0], $0xffff  }
0x62: {  	v26 =	vshll.u32 v15, $0x2;
	v14 =	vor.u32 v25, v14;
	v27 =	vshll.u32 v16, $0x2;
	v22 =	vld.idx.msk [tilespmem:v22+s20+$0x0], $0xffff;
	[tilespmem:s17+$0xFFFFFFE0] =	vst v10  }
0x63: {  	v21 =	vand.u32 $0x7F, v21;
	v10 =	vand.u32 $0xFFFFFE00, v26;
	v16 =	vand.u32 $0x7F, v16;
	v25 =	vld.idx.msk [tilespmem:v5+s20+$0x0], $0xffff  }
0x64: {  	v13 =	vand.u32 $0xFFFFFE00, v13;
	v26 =	vor.u32 $0x180, v2;
	v5 =	vand.u32 $0xFFFFFE00, v27;
	[tilespmem:s17+$0x50] =	vst v11;
	v8 =	vld.idx.msk [tilespmem:v8+s20+$0x0], $0xffff  }
0x65: {  	v2 =	vshll.u32 v18, $0x2;
	v11 =	vor.u32 v16, v5;
	v5 =	vor.u32 v21, v13;
	[tilespmem:s17+$0x10] =	vst v12;
	v12 =	vld.idx.msk [tilespmem:v24+s20+$0x0], $0xffff  }
0x66: {  	v2 =	vand.u32 $0xFFFFFE00, v2;
	v13 =	vor.u32 $0x180, v3;
	v3 =	vmov v14;
	v7 =	vld.idx.msk [tilespmem:v7+s20+$0x0], $0xffff;
	[tilespmem:s17+$0x30] =	vst v19  }
0x67: {  	v14 =	vand.u32 $0x7F, v18;
	v18 =	vor.u32 $0x180, v0;
	v0 =	vmovc v11;
	v19 =	vor.u32 $0x180, v1;
	[tilespmem:s17+$0x80] =	vst v20;
	v16 =	vld.idx.msk [tilespmem:v6+s20+$0x0], $0xffff  }
0x68: {  	v21 =	vor.u32 $0x80, v4;
	v2 =	vor.u32 v14, v2;
	v1 =	vand.u32 $0x7F, v15;
	[tilespmem:s17+$0x20] =	vst v22;
	v11 =	vld.idx.msk [tilespmem:v23+s20+$0x0], $0xffff  }
0x69: {  	v6 =	vor.u32 v1, v10;
	v1 =	vshll.u32 v9, $0x2;
	v10 =	vld.idx.msk [tilespmem:v26+s20+$0x0], $0xffff;
	[tilespmem:s17+$0x60] =	vst v25  }
0x6a: {  	v9 =	vand.u32 $0x7F, v9;
	v1 =	vand.u32 $0xFFFFFE00, v1;
	v15 =	vld.idx.msk [tilespmem:v4+s20+$0x0], $0xffff;
	[tilespmem:s17+$0x70] =	vst v8  }
0x6b: {  	v1 =	vor.u32 v9, v1;
	[tilespmem:s17+$0x40] =	vst v12;
	v22 =	vld.idx.msk [tilespmem:v13+s20+$0x0], $0xffff  }
0x6c: {  	v8 =	vshll.u32 v17, $0x2;
	v13 =	vor.u32 $0x80, v5;
	v12 =	vld.idx.msk [tilespmem:v0+s20+$0x0], $0xffff;
	[tilespmem:s17+$0x90] =	vst v7  }
0x6d: {  	v9 =	vand.u32 $0xFFFFFE00, v8;
	v8 =	vor.u32 $0x80, v3;
	v7 =	vand.u32 $0x7F, v17;
	[tilespmem:s17+$0xB0] =	vst v16;
	v16 =	vld.idx.msk [tilespmem:v18+s20+$0x0], $0xffff  }
0x6e: {  	v7 =	vor.u32 v7, v9;
	[tilespmem:s17+$0xD0] =	vst v11;
	v23 =	vld.idx.msk [tilespmem:v19+s20+$0x0], $0xffff  }
0x6f: {  	v14 =	vor.u32 $0x80, v7;
	v11 =	vld.idx.msk [tilespmem:v2+s20+$0x0], $0xffff  }
.Ltmp2:
0x70: {  	[tilespmem:s10+$0xFFFFFF00] =	vst v15;
	v15 =	vor.u32 $0x80, v2;
	v17 =	vld.idx.msk [tilespmem:v5+s20+$0x0], $0xffff;
	(pc) =	sbr.rel @p1 .LBB2_3-.Ltmp2, $4  }
0x71: {  	v20 =	vor.u32 $0x80, v0;
	v9 =	vld.idx.msk [tilespmem:v1+s20+$0x0], $0xffff;
	[tilespmem:s17+$0xF0] =	vst v22  }
0x72: {  	v18 =	vld.idx.msk [tilespmem:v21+s20+$0x0], $0xffff;
	[tilespmem:s17+$0xA0] =	vst v10  }
0x73: {  	v19 =	vld.idx.msk [tilespmem:v7+s20+$0x0], $0xffff;
	[tilespmem:s17+$0xC0] =	vst v16  }
0x74: {  	s8 =	sadd.s32 $0x80, s8;
	v10 =	vor.u32 $0x80, v1;
	v16 =	vld.idx.msk [tilespmem:v6+s20+$0x0], $0xffff;
	[tilespmem:s17+$0xE0] =	vst v23;
	s17 =	smov.u32 s10  }
0x75: {  	_ =	sdelay $0x1  }
0x76: {  	[tilespmem:s17+$0xFFFFFF40] =	vst v12  }
0x77: {  	[tilespmem:s17+$0xFFFFFF50] =	vst v17  }
0x78: {  	v34 =	vld.idx.msk [tilespmem:v3+s20+$0x0], $0xffff;
	[tilespmem:s17+$0xFFFFFF20] =	vst v11  }
0x79: {  	v36 =	vor.u32 $0x80, v6;
	v35 =	vld.idx.msk [tilespmem:v20+s20+$0x0], $0xffff;
	[tilespmem:s17+$0xFFFFFF60] =	vst v9  }
0x7a: {  	v37 =	vor.u32 $0x100, v4;
	v13 =	vld.idx.msk [tilespmem:v13+s20+$0x0], $0xffff;
	[tilespmem:s17+$0xFFFFFF80] =	vst v18  }
0x7b: {  	v39 =	vld.idx.msk [tilespmem:v15+s20+$0x0], $0xffff;
	[tilespmem:s17+$0xFFFFFF10] =	vst v19  }
0x7c: {  	v40 =	vor.u32 $0x100, v5;
	v9 =	vld.idx.msk [tilespmem:v10+s20+$0x0], $0xffff;
	[tilespmem:s17+$0xFFFFFF30] =	vst v16  }
0x7d: {  	v46 =	vor.u32 $0x100, v2;
	v38 =	vld.idx.msk [tilespmem:v14+s20+$0x0], $0xffff;
	[tilespmem:s17+$0xFFFFFF70] =	vst v34  }
0x7e: {  	v51 =	vor.u32 $0x100, v0;
	v41 =	vld.idx.msk [tilespmem:v36+s20+$0x0], $0xffff;
	[tilespmem:s17+$0xFFFFFFC0] =	vst v35  }
0x7f: {  	v49 =	vor.u32 $0x100, v1;
	v43 =	vld.idx.msk [tilespmem:v37+s20+$0x0], $0xffff;
	[tilespmem:s17+$0xFFFFFFD0] =	vst v13  }
0x80: {  	v42 =	vor.u32 $0x100, v7;
	v8 =	vld.idx.msk [tilespmem:v8+s20+$0x0], $0xffff;
	[tilespmem:s17+$0xFFFFFFA0] =	vst v39  }
0x81: {  	v44 =	vor.u32 $0x100, v6;
	v47 =	vld.idx.msk [tilespmem:v40+s20+$0x0], $0xffff;
	[tilespmem:s17+$0xFFFFFFE0] =	vst v9  }
0x82: {  	v45 =	vor.u32 $0x180, v4;
	v54 =	vld.idx.msk [tilespmem:v46+s20+$0x0], $0xffff;
	[tilespmem:s17+$0xFFFFFF90] =	vst v38  }
0x83: {  	v48 =	vor.u32 $0x100, v3;
	v60 =	vld.idx.msk [tilespmem:v51+s20+$0x0], $0xffff;
	[tilespmem:s17+$0xFFFFFFB0] =	vst v41  }
0x84: {  	v55 =	vor.u32 $0x180, v5;
	v57 =	vld.idx.msk [tilespmem:v49+s20+$0x0], $0xffff;
	[tilespmem:s17+$0x0] =	vst v43  }
0x85: {  	v59 =	vor.u32 $0x180, v2;
	v50 =	vld.idx.msk [tilespmem:v42+s20+$0x0], $0xffff;
	[tilespmem:s17+$0xFFFFFFF0] =	vst v8  }
0x86: {  	v61 =	vor.u32 $0x180, v0;
	v13 =	vld.idx.msk [tilespmem:v44+s20+$0x0], $0xffff;
	[tilespmem:s17+$0x50] =	vst v47  }
0x87: {  	v63 =	vor.u32 $0x180, v1;
	v4 =	vld.idx.msk [tilespmem:v45+s20+$0x0], $0xffff;
	[tilespmem:s17+$0x20] =	vst v54  }
0x88: {  	v52 =	vor.u32 $0x180, v7;
	v56 =	vld.idx.msk [tilespmem:v48+s20+$0x0], $0xffff;
	[tilespmem:s17+$0x40] =	vst v60  }
0x89: {  	v53 =	vor.u32 $0x180, v6;
	v5 =	vld.idx.msk [tilespmem:v55+s20+$0x0], $0xffff;
	[tilespmem:s17+$0x60] =	vst v57  }
0x8a: {  	v58 =	vor.u32 $0x180, v3;
	v2 =	vld.idx.msk [tilespmem:v59+s20+$0x0], $0xffff;
	[tilespmem:s17+$0x10] =	vst v50  }
0x8b: {  	v0 =	vld.idx.msk [tilespmem:v61+s20+$0x0], $0xffff;
	[tilespmem:s17+$0x30] =	vst v13  }
0x8c: {  	v1 =	vld.idx.msk [tilespmem:v63+s20+$0x0], $0xffff;
	[tilespmem:s17+$0x80] =	vst v4  }
0x8d: {  	v7 =	vld.idx.msk [tilespmem:v52+s20+$0x0], $0xffff;
	[tilespmem:s17+$0x70] =	vst v56  }
0x8e: {  	v62 =	vld.idx.msk [tilespmem:v53+s20+$0x0], $0xffff;
	[tilespmem:s17+$0xD0] =	vst v5  }
0x8f: {  	v3 =	vld.idx.msk [tilespmem:v58+s20+$0x0], $0xffff;
	[tilespmem:s17+$0xA0] =	vst v2  }
0x90: {  	p1 =	sne.s32 s9, $0x1F;
	[tilespmem:s17+$0xC0] =	vst v0  }
.Ltmp3:
0x91: {  	[tilespmem:s17+$0xE0] =	vst v1;
	(pc) =	sbr.rel @p1 .LBB2_6-.Ltmp3, $4  }
0x92: {  	[tilespmem:s17+$0x90] =	vst v7  }
0x93: {  	[tilespmem:s17+$0xB0] =	vst v62  }
0x94: {  	s7 =	sadd.s32 s3, s6;
	[tilespmem:s17+$0xF0] =	vst v3  }
0x95: {  	[hbm4b:s7+s18] =	stream.strided.scatter [tilespmem:s25], [sflag:$0x5], $0x2000, s19, s18, $0x38;
	[tilespmem:$0x10800] =	vst v63  }
.Ltmp4:
0x96: {  	(pc) =	sbr.rel .LBB2_7-.Ltmp4, $4  }
0x97: {  	_ = 	snop  }
0x98: {  	_ =	swait.ge [sflag:s26], $0x2000  }
0x99: {  	[sflag:s26] =	ssyncset.done $0x0  }
0x9a: {  	[sflag:s26] =	ssyncadd.s32 $0xFFFFE000  }
.LBB2_6:
0x9b: {  	s7 =	rddreg [dreg:$0x8]  }
.Ltmp5:
0x9c: {  	s7 =	sadd.s32 s15, s7;
	(pc) =	sbr.rel @p0 .LBB2_8-.Ltmp5, $4  }
0x9d: {  	[tilespmem:s20], [sflag:$0x1] =	stream.strided.gather [hbm4b:s7+s18], $0x2000, s19, s18, $0x38;
	[tilespmem:$0x10800] =	vst v63  }
0x9e: {  	_ =	swait.ge [sflag:s26], $0x2000  }
0x9f: {  	[sflag:s26] =	ssyncset.done $0x0  }
0xa0: {  	[sflag:s26] =	ssyncadd.s32 $0xFFFFE000  }
.LBB2_7:
0xa1: {  	_ =	swait.ge [sflag:s28], $0x2000  }
0xa2: {  	[sflag:s28] =	ssyncset.done $0x0  }
0xa3: {  	[sflag:s28] =	ssyncadd.s32 $0xFFFFE000  }
.LBB2_8:
0xa4: {  	s7 =	simm.s32 $0x40  }
0xa5: {  	v0 =	vld [tilespmem:s7+$0xFFFFFFC0]  }
0xa6: {  	v1 =	vld [tilespmem:s7+$0x10]  }
0xa7: {  	v3 =	vld [tilespmem:s7+$0xFFFFFFE0]  }
0xa8: {  	v2 =	vld [tilespmem:s7+$0x0];
	_ =	sdelay $0x1  }
0xa9: {  	v6 =	vld [tilespmem:s7+$0x20]  }
0xaa: {  	v7 =	vld [tilespmem:s7+$0xFFFFFFF0];
	v4 =	vshll.u32 v0, $0x2;
	v0 =	vand.u32 $0x7F, v0;
	v5 =	vshll.u32 v1, $0x2  }
0xab: {  	v1 =	vand.u32 $0x7F, v1;
	v9 =	vshll.u32 v3, $0x2;
	v4 =	vand.u32 $0xFFFFFE00, v4  }
0xac: {  	v8 =	vld [tilespmem:s7+$0xFFFFFFD0];
	v3 =	vand.u32 $0x7F, v3;
	v4 =	vor.u32 v0, v4;
	v0 =	vshll.u32 v2, $0x2  }
0xad: {  	v5 =	vand.u32 $0xFFFFFE00, v5;
	v2 =	vand.u32 $0x7F, v2;
	v0 =	vand.u32 $0xFFFFFE00, v0  }
0xae: {  	v5 =	vor.u32 v1, v5;
	v0 =	vor.u32 v2, v0;
	v2 =	vand.u32 $0xFFFFFE00, v9;
	v9 =	vld [tilespmem:s7+$0x30]  }
0xaf: {  	v11 =	vand.u32 $0x7F, v7;
	v2 =	vor.u32 v3, v2;
	v3 =	vshll.u32 v6, $0x2  }
0xb0: {  	v1 =	vand.u32 $0x7F, v6;
	v12 =	vor.u32 $0x80, v4;
	v3 =	vand.u32 $0xFFFFFE00, v3  }
0xb1: {  	v6 =	vshll.u32 v7, $0x2;
	v10 =	vld.idx.msk [tilespmem:v4+s21+$0x0], $0xffff;
	v1 =	vor.u32 v1, v3;
	v3 =	vshll.u32 v8, $0x2  }
0xb2: {  	v6 =	vand.u32 $0xFFFFFE00, v6;
	v8 =	vand.u32 $0x7F, v8;
	v3 =	vand.u32 $0xFFFFFE00, v3  }
0xb3: {  	v6 =	vor.u32 v11, v6;
	v17 =	vld.idx.msk [tilespmem:v5+s21+$0x0], $0xffff;
	v7 =	vor.u32 v8, v3;
	v3 =	vshll.u32 v9, $0x2  }
0xb4: {  	v13 =	vld.idx.msk [tilespmem:v0+s21+$0x0], $0xffff;
	v8 =	vand.u32 $0x7F, v9;
	v3 =	vand.u32 $0xFFFFFE00, v3  }
0xb5: {  	s17 =	simm.s32 $0xA900;
	v11 =	vld.idx.msk [tilespmem:v2+s21+$0x0], $0xffff;
	v3 =	vor.u32 v8, v3  }
0xb6: {  	v20 =	vor.u32 $0x80, v0;
	[tilespmem:s17+$0xFFFFFF00] =	vst v10;
	v10 =	vld.idx.msk [tilespmem:v1+s21+$0x0], $0xffff  }
0xb7: {  	v18 =	vld.idx.msk [tilespmem:v12+s21+$0x0], $0xffff;
	v12 =	vor.u32 $0x80, v5  }
0xb8: {  	v15 =	vor.u32 $0x80, v2;
	v16 =	vld.idx.msk [tilespmem:v6+s21+$0x0], $0xffff  }
0xb9: {  	s8 =	simm.s32 $0xC0;
	s10 =	simm.s32 $0xA900;
	s7 =	simm.s32 $0x0;
	v9 =	vor.u32 $0x80, v1;
	v14 =	vor.u32 $0x80, v7;
	v8 =	vor.u32 $0x80, v3;
	v19 =	vld.idx.msk [tilespmem:v7+s21+$0x0], $0xffff  }
.LBB2_9:
0xba: {  	s7 =	sadd.s32 $0x8, s7;
	[tilespmem:s17+$0xFFFFFF40] =	vst v13;
	v13 =	vld.idx.msk [tilespmem:v3+s21+$0x0], $0xffff;
	s10 =	sadd.s32 $0x200, s10  }
0xbb: {  	p2 =	slt.u32 s7, $0x78;
	v20 =	vld.idx.msk [tilespmem:v20+s21+$0x0], $0xffff;
	[tilespmem:s17+$0xFFFFFF50] =	vst v17  }
0xbc: {  	v17 =	vor.u32 $0x100, v4;
	v12 =	vld.idx.msk [tilespmem:v12+s21+$0x0], $0xffff  }
0xbd: {  	v21 =	vld [tilespmem:s8+$0x10];
	[tilespmem:s17+$0xFFFFFF80] =	vst v18  }
0xbe: {  	v18 =	vld [tilespmem:s8+$0xFFFFFFE0];
	[tilespmem:s17+$0xFFFFFF10] =	vst v19;
	v19 =	vor.u32 $0x80, v6  }
0xbf: {  	v14 =	vld.idx.msk [tilespmem:v14+s21+$0x0], $0xffff;
	[tilespmem:s17+$0xFFFFFF20] =	vst v11  }
0xc0: {  	v11 =	vld.idx.msk [tilespmem:v15+s21+$0x0], $0xffff;
	[tilespmem:s17+$0xFFFFFF70] =	vst v13  }
0xc1: {  	v13 =	vld.idx.msk [tilespmem:v17+s21+$0x0], $0xffff;
	[tilespmem:s17+$0xFFFFFFC0] =	vst v20  }
0xc2: {  	v15 =	vld [tilespmem:s8+$0xFFFFFFF0];
	[tilespmem:s17+$0xFFFFFF30] =	vst v16  }
0xc3: {  	v16 =	vld.idx.msk [tilespmem:v19+s21+$0x0], $0xffff;
	[tilespmem:s17+$0xFFFFFFD0] =	vst v12  }
0xc4: {  	v12 =	vld [tilespmem:s8+$0xFFFFFFC0];
	[tilespmem:s17+$0xFFFFFF60] =	vst v10  }
0xc5: {  	[tilespmem:s17+$0xFFFFFF90] =	vst v14;
	v8 =	vld.idx.msk [tilespmem:v8+s21+$0x0], $0xffff  }
0xc6: {  	v10 =	vld [tilespmem:s8+$0x20];
	[tilespmem:s17+$0xFFFFFFA0] =	vst v11;
	v11 =	vor.u32 $0x100, v5  }
0xc7: {  	v14 =	vld [tilespmem:s8+$0x30];
	[tilespmem:s17+$0x0] =	vst v13;
	v13 =	vor.u32 $0x100, v7  }
0xc8: {  	v19 =	vor.u32 $0x100, v6;
	v17 =	vld [tilespmem:s8+$0xFFFFFFD0]  }
0xc9: {  	v20 =	vor.u32 $0x180, v4;
	[tilespmem:s17+$0xFFFFFFB0] =	vst v16;
	v9 =	vld.idx.msk [tilespmem:v9+s21+$0x0], $0xffff  }
0xca: {  	v22 =	vor.u32 $0x100, v2;
	v23 =	vor.u32 $0x180, v5;
	v5 =	vor.u32 $0x100, v1;
	v16 =	vld [tilespmem:s8+$0x0]  }
0xcb: {  	v24 =	vor.u32 $0x100, v0;
	v4 =	vshll.u32 v12, $0x2;
	v11 =	vld.idx.msk [tilespmem:v11+s21+$0x0], $0xffff;
	[tilespmem:s17+$0xFFFFFFF0] =	vst v8;
	v8 =	vor.u32 $0x100, v3  }
0xcc: {  	v4 =	vand.u32 $0xFFFFFE00, v4;
	v25 =	vand.u32 $0x7F, v14;
	v14 =	vshll.u32 v14, $0x2;
	v13 =	vld.idx.msk [tilespmem:v13+s21+$0x0], $0xffff  }
0xcd: {  	v6 =	vor.u32 $0x180, v6;
	v12 =	vand.u32 $0x7F, v12;
	v14 =	vand.u32 $0xFFFFFE00, v14;
	v19 =	vld.idx.msk [tilespmem:v19+s21+$0x0], $0xffff  }
0xce: {  	v7 =	vor.u32 $0x180, v7;
	v4 =	vor.u32 v12, v4;
	v12 =	vshll.u32 v21, $0x2;
	v20 =	vld.idx.msk [tilespmem:v20+s21+$0x0], $0xffff  }
0xcf: {  	v26 =	vshll.u32 v15, $0x2;
	v14 =	vor.u32 v25, v14;
	v27 =	vshll.u32 v16, $0x2;
	v22 =	vld.idx.msk [tilespmem:v22+s21+$0x0], $0xffff;
	[tilespmem:s17+$0xFFFFFFE0] =	vst v9  }
0xd0: {  	v21 =	vand.u32 $0x7F, v21;
	v9 =	vand.u32 $0xFFFFFE00, v26;
	v16 =	vand.u32 $0x7F, v16;
	v25 =	vld.idx.msk [tilespmem:v5+s21+$0x0], $0xffff  }
0xd1: {  	v12 =	vand.u32 $0xFFFFFE00, v12;
	v26 =	vor.u32 $0x180, v2;
	v5 =	vand.u32 $0xFFFFFE00, v27;
	[tilespmem:s17+$0x50] =	vst v11;
	v8 =	vld.idx.msk [tilespmem:v8+s21+$0x0], $0xffff  }
0xd2: {  	v2 =	vshll.u32 v18, $0x2;
	v11 =	vor.u32 v16, v5;
	v5 =	vor.u32 v21, v12;
	[tilespmem:s17+$0x10] =	vst v13;
	v12 =	vld.idx.msk [tilespmem:v24+s21+$0x0], $0xffff  }
0xd3: {  	v2 =	vand.u32 $0xFFFFFE00, v2;
	v13 =	vor.u32 $0x180, v3;
	v3 =	vmov v14;
	v7 =	vld.idx.msk [tilespmem:v7+s21+$0x0], $0xffff;
	[tilespmem:s17+$0x30] =	vst v19  }
0xd4: {  	v14 =	vand.u32 $0x7F, v18;
	v18 =	vor.u32 $0x180, v0;
	v0 =	vmovc v11;
	v19 =	vor.u32 $0x180, v1;
	[tilespmem:s17+$0x80] =	vst v20;
	v16 =	vld.idx.msk [tilespmem:v6+s21+$0x0], $0xffff  }
0xd5: {  	v21 =	vor.u32 $0x80, v4;
	v2 =	vor.u32 v14, v2;
	v1 =	vand.u32 $0x7F, v15;
	[tilespmem:s17+$0x20] =	vst v22;
	v11 =	vld.idx.msk [tilespmem:v23+s21+$0x0], $0xffff  }
0xd6: {  	v6 =	vor.u32 v1, v9;
	v1 =	vshll.u32 v10, $0x2;
	v9 =	vld.idx.msk [tilespmem:v26+s21+$0x0], $0xffff;
	[tilespmem:s17+$0x60] =	vst v25  }
0xd7: {  	v10 =	vand.u32 $0x7F, v10;
	v1 =	vand.u32 $0xFFFFFE00, v1;
	v15 =	vld.idx.msk [tilespmem:v4+s21+$0x0], $0xffff;
	[tilespmem:s17+$0x70] =	vst v8  }
0xd8: {  	v1 =	vor.u32 v10, v1;
	[tilespmem:s17+$0x40] =	vst v12;
	v22 =	vld.idx.msk [tilespmem:v13+s21+$0x0], $0xffff  }
0xd9: {  	v8 =	vshll.u32 v17, $0x2;
	v12 =	vor.u32 $0x80, v5;
	v13 =	vld.idx.msk [tilespmem:v0+s21+$0x0], $0xffff;
	[tilespmem:s17+$0x90] =	vst v7  }
0xda: {  	v10 =	vand.u32 $0xFFFFFE00, v8;
	v8 =	vor.u32 $0x80, v3;
	v7 =	vand.u32 $0x7F, v17;
	[tilespmem:s17+$0xB0] =	vst v16;
	v16 =	vld.idx.msk [tilespmem:v18+s21+$0x0], $0xffff  }
0xdb: {  	v7 =	vor.u32 v7, v10;
	[tilespmem:s17+$0xD0] =	vst v11;
	v23 =	vld.idx.msk [tilespmem:v19+s21+$0x0], $0xffff  }
0xdc: {  	v14 =	vor.u32 $0x80, v7;
	v11 =	vld.idx.msk [tilespmem:v2+s21+$0x0], $0xffff  }
.Ltmp6:
0xdd: {  	[tilespmem:s10+$0xFFFFFF00] =	vst v15;
	v15 =	vor.u32 $0x80, v2;
	v17 =	vld.idx.msk [tilespmem:v5+s21+$0x0], $0xffff;
	(pc) =	sbr.rel @p2 .LBB2_9-.Ltmp6, $4  }
0xde: {  	v20 =	vor.u32 $0x80, v0;
	v10 =	vld.idx.msk [tilespmem:v1+s21+$0x0], $0xffff;
	[tilespmem:s17+$0xF0] =	vst v22  }
0xdf: {  	v18 =	vld.idx.msk [tilespmem:v21+s21+$0x0], $0xffff;
	[tilespmem:s17+$0xA0] =	vst v9  }
0xe0: {  	v19 =	vld.idx.msk [tilespmem:v7+s21+$0x0], $0xffff;
	[tilespmem:s17+$0xC0] =	vst v16  }
0xe1: {  	s8 =	sadd.s32 $0x80, s8;
	v9 =	vor.u32 $0x80, v1;
	v16 =	vld.idx.msk [tilespmem:v6+s21+$0x0], $0xffff;
	[tilespmem:s17+$0xE0] =	vst v23;
	s17 =	smov.u32 s10  }
0xe2: {  	_ =	sdelay $0x1  }
0xe3: {  	[tilespmem:s17+$0xFFFFFF40] =	vst v13  }
0xe4: {  	[tilespmem:s17+$0xFFFFFF50] =	vst v17  }
0xe5: {  	v34 =	vld.idx.msk [tilespmem:v3+s21+$0x0], $0xffff;
	[tilespmem:s17+$0xFFFFFF20] =	vst v11  }
0xe6: {  	v36 =	vor.u32 $0x80, v6;
	v35 =	vld.idx.msk [tilespmem:v20+s21+$0x0], $0xffff;
	[tilespmem:s17+$0xFFFFFF60] =	vst v10  }
0xe7: {  	v37 =	vor.u32 $0x100, v4;
	v12 =	vld.idx.msk [tilespmem:v12+s21+$0x0], $0xffff;
	[tilespmem:s17+$0xFFFFFF80] =	vst v18  }
0xe8: {  	v39 =	vld.idx.msk [tilespmem:v15+s21+$0x0], $0xffff;
	[tilespmem:s17+$0xFFFFFF10] =	vst v19  }
0xe9: {  	v40 =	vor.u32 $0x100, v5;
	v9 =	vld.idx.msk [tilespmem:v9+s21+$0x0], $0xffff;
	[tilespmem:s17+$0xFFFFFF30] =	vst v16  }
0xea: {  	v46 =	vor.u32 $0x100, v2;
	v38 =	vld.idx.msk [tilespmem:v14+s21+$0x0], $0xffff;
	[tilespmem:s17+$0xFFFFFF70] =	vst v34  }
0xeb: {  	v51 =	vor.u32 $0x100, v0;
	v41 =	vld.idx.msk [tilespmem:v36+s21+$0x0], $0xffff;
	[tilespmem:s17+$0xFFFFFFC0] =	vst v35  }
0xec: {  	v49 =	vor.u32 $0x100, v1;
	v43 =	vld.idx.msk [tilespmem:v37+s21+$0x0], $0xffff;
	[tilespmem:s17+$0xFFFFFFD0] =	vst v12  }
0xed: {  	v42 =	vor.u32 $0x100, v7;
	v8 =	vld.idx.msk [tilespmem:v8+s21+$0x0], $0xffff;
	[tilespmem:s17+$0xFFFFFFA0] =	vst v39  }
0xee: {  	v44 =	vor.u32 $0x100, v6;
	v47 =	vld.idx.msk [tilespmem:v40+s21+$0x0], $0xffff;
	[tilespmem:s17+$0xFFFFFFE0] =	vst v9  }
0xef: {  	v45 =	vor.u32 $0x180, v4;
	v54 =	vld.idx.msk [tilespmem:v46+s21+$0x0], $0xffff;
	[tilespmem:s17+$0xFFFFFF90] =	vst v38  }
0xf0: {  	v48 =	vor.u32 $0x100, v3;
	v60 =	vld.idx.msk [tilespmem:v51+s21+$0x0], $0xffff;
	[tilespmem:s17+$0xFFFFFFB0] =	vst v41  }
0xf1: {  	v55 =	vor.u32 $0x180, v5;
	v57 =	vld.idx.msk [tilespmem:v49+s21+$0x0], $0xffff;
	[tilespmem:s17+$0x0] =	vst v43  }
0xf2: {  	v59 =	vor.u32 $0x180, v2;
	v50 =	vld.idx.msk [tilespmem:v42+s21+$0x0], $0xffff;
	[tilespmem:s17+$0xFFFFFFF0] =	vst v8  }
0xf3: {  	v61 =	vor.u32 $0x180, v0;
	v12 =	vld.idx.msk [tilespmem:v44+s21+$0x0], $0xffff;
	[tilespmem:s17+$0x50] =	vst v47  }
0xf4: {  	v63 =	vor.u32 $0x180, v1;
	v4 =	vld.idx.msk [tilespmem:v45+s21+$0x0], $0xffff;
	[tilespmem:s17+$0x20] =	vst v54  }
0xf5: {  	v52 =	vor.u32 $0x180, v7;
	v56 =	vld.idx.msk [tilespmem:v48+s21+$0x0], $0xffff;
	[tilespmem:s17+$0x40] =	vst v60  }
0xf6: {  	v53 =	vor.u32 $0x180, v6;
	v5 =	vld.idx.msk [tilespmem:v55+s21+$0x0], $0xffff;
	[tilespmem:s17+$0x60] =	vst v57  }
0xf7: {  	v58 =	vor.u32 $0x180, v3;
	v2 =	vld.idx.msk [tilespmem:v59+s21+$0x0], $0xffff;
	[tilespmem:s17+$0x10] =	vst v50  }
0xf8: {  	v0 =	vld.idx.msk [tilespmem:v61+s21+$0x0], $0xffff;
	[tilespmem:s17+$0x30] =	vst v12  }
0xf9: {  	v1 =	vld.idx.msk [tilespmem:v63+s21+$0x0], $0xffff;
	[tilespmem:s17+$0x80] =	vst v4  }
0xfa: {  	v7 =	vld.idx.msk [tilespmem:v52+s21+$0x0], $0xffff;
	[tilespmem:s17+$0x70] =	vst v56  }
0xfb: {  	v62 =	vld.idx.msk [tilespmem:v53+s21+$0x0], $0xffff;
	[tilespmem:s17+$0xD0] =	vst v5  }
0xfc: {  	v3 =	vld.idx.msk [tilespmem:v58+s21+$0x0], $0xffff;
	[tilespmem:s17+$0xA0] =	vst v2  }
0xfd: {  	[tilespmem:s17+$0xC0] =	vst v0  }
.Ltmp7:
0xfe: {  	[tilespmem:s17+$0xE0] =	vst v1;
	(pc) =	sbr.rel @p1 .LBB2_12-.Ltmp7, $4  }
0xff: {  	[tilespmem:s17+$0x90] =	vst v7  }
0x100: {  	[tilespmem:s17+$0xB0] =	vst v62  }
0x101: {  	s6 =	sadd.s32 s6, s11;
	[tilespmem:s17+$0xF0] =	vst v3  }
0x102: {  	[hbm4b:s6+s18] =	stream.strided.scatter [tilespmem:s29], [sflag:$0x6], $0x2000, s19, s18, $0x38;
	[tilespmem:$0x10800] =	vst v63  }
.Ltmp8:
0x103: {  	(pc) =	sbr.rel .LBB2_13-.Ltmp8, $4  }
0x104: {  	_ = 	snop  }
0x105: {  	_ =	swait.ge [sflag:s30], $0x2000  }
0x106: {  	[sflag:s30] =	ssyncset.done $0x0  }
0x107: {  	[sflag:s30] =	ssyncadd.s32 $0xFFFFE000  }
.LBB2_12:
.Ltmp9:
0x108: {  	s6 =	sadd.s32 s15, s12;
	(pc) =	sbr.rel @p0 .LBB2_14-.Ltmp9, $4  }
0x109: {  	[tilespmem:s21], [sflag:$0x2] =	stream.strided.gather [hbm4b:s6+s18], $0x2000, s19, s18, $0x38;
	[tilespmem:$0x10800] =	vst v63  }
0x10a: {  	_ =	swait.ge [sflag:s30], $0x2000  }
0x10b: {  	[sflag:s30] =	ssyncset.done $0x0  }
0x10c: {  	[sflag:s30] =	ssyncadd.s32 $0xFFFFE000  }
.LBB2_13:
0x10d: {  	_ =	swait.ge [sflag:s31], $0x2000  }
0x10e: {  	[sflag:s31] =	ssyncset.done $0x0  }
0x10f: {  	[sflag:s31] =	ssyncadd.s32 $0xFFFFE000  }
.LBB2_14:
0x110: {  	s6 =	simm.s32 $0x40  }
0x111: {  	v0 =	vld [tilespmem:s6+$0xFFFFFFC0]  }
0x112: {  	v1 =	vld [tilespmem:s6+$0x10]  }
0x113: {  	v3 =	vld [tilespmem:s6+$0xFFFFFFE0]  }
0x114: {  	v2 =	vld [tilespmem:s6+$0x0];
	_ =	sdelay $0x1  }
0x115: {  	v6 =	vld [tilespmem:s6+$0x20]  }
0x116: {  	v7 =	vld [tilespmem:s6+$0xFFFFFFF0];
	v4 =	vshll.u32 v0, $0x2;
	v0 =	vand.u32 $0x7F, v0;
	v5 =	vshll.u32 v1, $0x2  }
0x117: {  	v1 =	vand.u32 $0x7F, v1;
	v9 =	vshll.u32 v3, $0x2;
	v4 =	vand.u32 $0xFFFFFE00, v4  }
0x118: {  	v8 =	vld [tilespmem:s6+$0xFFFFFFD0];
	v3 =	vand.u32 $0x7F, v3;
	v4 =	vor.u32 v0, v4;
	v0 =	vshll.u32 v2, $0x2  }
0x119: {  	v5 =	vand.u32 $0xFFFFFE00, v5;
	v2 =	vand.u32 $0x7F, v2;
	v0 =	vand.u32 $0xFFFFFE00, v0  }
0x11a: {  	v5 =	vor.u32 v1, v5;
	v0 =	vor.u32 v2, v0;
	v2 =	vand.u32 $0xFFFFFE00, v9;
	v9 =	vld [tilespmem:s6+$0x30]  }
0x11b: {  	v11 =	vand.u32 $0x7F, v7;
	v2 =	vor.u32 v3, v2;
	v3 =	vshll.u32 v6, $0x2  }
0x11c: {  	v1 =	vand.u32 $0x7F, v6;
	v12 =	vor.u32 $0x80, v4;
	v3 =	vand.u32 $0xFFFFFE00, v3  }
0x11d: {  	v6 =	vshll.u32 v7, $0x2;
	v10 =	vld.idx.msk [tilespmem:v4+s22+$0x0], $0xffff;
	v1 =	vor.u32 v1, v3;
	v3 =	vshll.u32 v8, $0x2  }
0x11e: {  	v6 =	vand.u32 $0xFFFFFE00, v6;
	v8 =	vand.u32 $0x7F, v8;
	v3 =	vand.u32 $0xFFFFFE00, v3  }
0x11f: {  	v6 =	vor.u32 v11, v6;
	v17 =	vld.idx.msk [tilespmem:v5+s22+$0x0], $0xffff;
	v7 =	vor.u32 v8, v3;
	v3 =	vshll.u32 v9, $0x2  }
0x120: {  	v13 =	vld.idx.msk [tilespmem:v0+s22+$0x0], $0xffff;
	v8 =	vand.u32 $0x7F, v9;
	v3 =	vand.u32 $0xFFFFFE00, v3  }
0x121: {  	s17 =	simm.s32 $0xC900;
	v11 =	vld.idx.msk [tilespmem:v2+s22+$0x0], $0xffff;
	v3 =	vor.u32 v8, v3  }
0x122: {  	v20 =	vor.u32 $0x80, v0;
	[tilespmem:s17+$0xFFFFFF00] =	vst v10;
	v10 =	vld.idx.msk [tilespmem:v1+s22+$0x0], $0xffff  }
0x123: {  	v18 =	vld.idx.msk [tilespmem:v12+s22+$0x0], $0xffff;
	v12 =	vor.u32 $0x80, v5  }
0x124: {  	v15 =	vor.u32 $0x80, v2;
	v16 =	vld.idx.msk [tilespmem:v6+s22+$0x0], $0xffff  }
0x125: {  	s7 =	simm.s32 $0xC0;
	s8 =	simm.s32 $0xC900;
	s6 =	simm.s32 $0x0;
	v9 =	vor.u32 $0x80, v1;
	v14 =	vor.u32 $0x80, v7;
	v8 =	vor.u32 $0x80, v3;
	v19 =	vld.idx.msk [tilespmem:v7+s22+$0x0], $0xffff  }
.LBB2_15:
0x126: {  	s6 =	sadd.s32 $0x8, s6;
	[tilespmem:s17+$0xFFFFFF40] =	vst v13;
	v13 =	vld.idx.msk [tilespmem:v3+s22+$0x0], $0xffff;
	s8 =	sadd.s32 $0x200, s8  }
0x127: {  	p2 =	slt.u32 s6, $0x78;
	v20 =	vld.idx.msk [tilespmem:v20+s22+$0x0], $0xffff;
	[tilespmem:s17+$0xFFFFFF50] =	vst v17  }
0x128: {  	v17 =	vor.u32 $0x100, v4;
	v12 =	vld.idx.msk [tilespmem:v12+s22+$0x0], $0xffff  }
0x129: {  	v21 =	vld [tilespmem:s7+$0x10];
	[tilespmem:s17+$0xFFFFFF80] =	vst v18  }
0x12a: {  	v18 =	vld [tilespmem:s7+$0xFFFFFFE0];
	[tilespmem:s17+$0xFFFFFF10] =	vst v19;
	v19 =	vor.u32 $0x80, v6  }
0x12b: {  	v14 =	vld.idx.msk [tilespmem:v14+s22+$0x0], $0xffff;
	[tilespmem:s17+$0xFFFFFF20] =	vst v11  }
0x12c: {  	v11 =	vld.idx.msk [tilespmem:v15+s22+$0x0], $0xffff;
	[tilespmem:s17+$0xFFFFFF70] =	vst v13  }
0x12d: {  	v13 =	vld.idx.msk [tilespmem:v17+s22+$0x0], $0xffff;
	[tilespmem:s17+$0xFFFFFFC0] =	vst v20  }
0x12e: {  	v15 =	vld [tilespmem:s7+$0xFFFFFFF0];
	[tilespmem:s17+$0xFFFFFF30] =	vst v16  }
0x12f: {  	v16 =	vld.idx.msk [tilespmem:v19+s22+$0x0], $0xffff;
	[tilespmem:s17+$0xFFFFFFD0] =	vst v12  }
0x130: {  	v12 =	vld [tilespmem:s7+$0xFFFFFFC0];
	[tilespmem:s17+$0xFFFFFF60] =	vst v10  }
0x131: {  	[tilespmem:s17+$0xFFFFFF90] =	vst v14;
	v8 =	vld.idx.msk [tilespmem:v8+s22+$0x0], $0xffff  }
0x132: {  	v10 =	vld [tilespmem:s7+$0x20];
	[tilespmem:s17+$0xFFFFFFA0] =	vst v11;
	v11 =	vor.u32 $0x100, v5  }
0x133: {  	v14 =	vld [tilespmem:s7+$0x30];
	[tilespmem:s17+$0x0] =	vst v13;
	v13 =	vor.u32 $0x100, v7  }
0x134: {  	v19 =	vor.u32 $0x100, v6;
	v17 =	vld [tilespmem:s7+$0xFFFFFFD0]  }
0x135: {  	v20 =	vor.u32 $0x180, v4;
	[tilespmem:s17+$0xFFFFFFB0] =	vst v16;
	v9 =	vld.idx.msk [tilespmem:v9+s22+$0x0], $0xffff  }
0x136: {  	v22 =	vor.u32 $0x100, v2;
	v23 =	vor.u32 $0x180, v5;
	v5 =	vor.u32 $0x100, v1;
	v16 =	vld [tilespmem:s7+$0x0]  }
0x137: {  	v24 =	vor.u32 $0x100, v0;
	v4 =	vshll.u32 v12, $0x2;
	v11 =	vld.idx.msk [tilespmem:v11+s22+$0x0], $0xffff;
	[tilespmem:s17+$0xFFFFFFF0] =	vst v8;
	v8 =	vor.u32 $0x100, v3  }
0x138: {  	v4 =	vand.u32 $0xFFFFFE00, v4;
	v25 =	vand.u32 $0x7F, v14;
	v14 =	vshll.u32 v14, $0x2;
	v13 =	vld.idx.msk [tilespmem:v13+s22+$0x0], $0xffff  }
0x139: {  	v6 =	vor.u32 $0x180, v6;
	v12 =	vand.u32 $0x7F, v12;
	v14 =	vand.u32 $0xFFFFFE00, v14;
	v19 =	vld.idx.msk [tilespmem:v19+s22+$0x0], $0xffff  }
0x13a: {  	v7 =	vor.u32 $0x180, v7;
	v4 =	vor.u32 v12, v4;
	v12 =	vshll.u32 v21, $0x2;
	v20 =	vld.idx.msk [tilespmem:v20+s22+$0x0], $0xffff  }
0x13b: {  	v26 =	vshll.u32 v15, $0x2;
	v14 =	vor.u32 v25, v14;
	v27 =	vshll.u32 v16, $0x2;
	v22 =	vld.idx.msk [tilespmem:v22+s22+$0x0], $0xffff;
	[tilespmem:s17+$0xFFFFFFE0] =	vst v9  }
0x13c: {  	v21 =	vand.u32 $0x7F, v21;
	v9 =	vand.u32 $0xFFFFFE00, v26;
	v16 =	vand.u32 $0x7F, v16;
	v25 =	vld.idx.msk [tilespmem:v5+s22+$0x0], $0xffff  }
0x13d: {  	v12 =	vand.u32 $0xFFFFFE00, v12;
	v26 =	vor.u32 $0x180, v2;
	v5 =	vand.u32 $0xFFFFFE00, v27;
	[tilespmem:s17+$0x50] =	vst v11;
	v8 =	vld.idx.msk [tilespmem:v8+s22+$0x0], $0xffff  }
0x13e: {  	v2 =	vshll.u32 v18, $0x2;
	v11 =	vor.u32 v16, v5;
	v5 =	vor.u32 v21, v12;
	[tilespmem:s17+$0x10] =	vst v13;
	v12 =	vld.idx.msk [tilespmem:v24+s22+$0x0], $0xffff  }
0x13f: {  	v2 =	vand.u32 $0xFFFFFE00, v2;
	v13 =	vor.u32 $0x180, v3;
	v3 =	vmov v14;
	v7 =	vld.idx.msk [tilespmem:v7+s22+$0x0], $0xffff;
	[tilespmem:s17+$0x30] =	vst v19  }
0x140: {  	v14 =	vand.u32 $0x7F, v18;
	v18 =	vor.u32 $0x180, v0;
	v0 =	vmovc v11;
	v19 =	vor.u32 $0x180, v1;
	[tilespmem:s17+$0x80] =	vst v20;
	v16 =	vld.idx.msk [tilespmem:v6+s22+$0x0], $0xffff  }
0x141: {  	v21 =	vor.u32 $0x80, v4;
	v2 =	vor.u32 v14, v2;
	v1 =	vand.u32 $0x7F, v15;
	[tilespmem:s17+$0x20] =	vst v22;
	v11 =	vld.idx.msk [tilespmem:v23+s22+$0x0], $0xffff  }
0x142: {  	v6 =	vor.u32 v1, v9;
	v1 =	vshll.u32 v10, $0x2;
	v9 =	vld.idx.msk [tilespmem:v26+s22+$0x0], $0xffff;
	[tilespmem:s17+$0x60] =	vst v25  }
0x143: {  	v10 =	vand.u32 $0x7F, v10;
	v1 =	vand.u32 $0xFFFFFE00, v1;
	v15 =	vld.idx.msk [tilespmem:v4+s22+$0x0], $0xffff;
	[tilespmem:s17+$0x70] =	vst v8  }
0x144: {  	v1 =	vor.u32 v10, v1;
	[tilespmem:s17+$0x40] =	vst v12;
	v22 =	vld.idx.msk [tilespmem:v13+s22+$0x0], $0xffff  }
0x145: {  	v8 =	vshll.u32 v17, $0x2;
	v12 =	vor.u32 $0x80, v5;
	v13 =	vld.idx.msk [tilespmem:v0+s22+$0x0], $0xffff;
	[tilespmem:s17+$0x90] =	vst v7  }
0x146: {  	v10 =	vand.u32 $0xFFFFFE00, v8;
	v8 =	vor.u32 $0x80, v3;
	v7 =	vand.u32 $0x7F, v17;
	[tilespmem:s17+$0xB0] =	vst v16;
	v16 =	vld.idx.msk [tilespmem:v18+s22+$0x0], $0xffff  }
0x147: {  	v7 =	vor.u32 v7, v10;
	[tilespmem:s17+$0xD0] =	vst v11;
	v23 =	vld.idx.msk [tilespmem:v19+s22+$0x0], $0xffff  }
0x148: {  	v14 =	vor.u32 $0x80, v7;
	v11 =	vld.idx.msk [tilespmem:v2+s22+$0x0], $0xffff  }
.Ltmp10:
0x149: {  	[tilespmem:s8+$0xFFFFFF00] =	vst v15;
	v15 =	vor.u32 $0x80, v2;
	v17 =	vld.idx.msk [tilespmem:v5+s22+$0x0], $0xffff;
	(pc) =	sbr.rel @p2 .LBB2_15-.Ltmp10, $4  }
0x14a: {  	v20 =	vor.u32 $0x80, v0;
	v10 =	vld.idx.msk [tilespmem:v1+s22+$0x0], $0xffff;
	[tilespmem:s17+$0xF0] =	vst v22  }
0x14b: {  	v18 =	vld.idx.msk [tilespmem:v21+s22+$0x0], $0xffff;
	[tilespmem:s17+$0xA0] =	vst v9  }
0x14c: {  	v19 =	vld.idx.msk [tilespmem:v7+s22+$0x0], $0xffff;
	[tilespmem:s17+$0xC0] =	vst v16  }
0x14d: {  	s7 =	sadd.s32 $0x80, s7;
	v9 =	vor.u32 $0x80, v1;
	v16 =	vld.idx.msk [tilespmem:v6+s22+$0x0], $0xffff;
	[tilespmem:s17+$0xE0] =	vst v23;
	s17 =	smov.u32 s8  }
0x14e: {  	_ =	sdelay $0x1  }
0x14f: {  	[tilespmem:s17+$0xFFFFFF40] =	vst v13  }
0x150: {  	[tilespmem:s17+$0xFFFFFF50] =	vst v17  }
0x151: {  	v34 =	vld.idx.msk [tilespmem:v3+s22+$0x0], $0xffff;
	[tilespmem:s17+$0xFFFFFF20] =	vst v11  }
0x152: {  	v36 =	vor.u32 $0x80, v6;
	v35 =	vld.idx.msk [tilespmem:v20+s22+$0x0], $0xffff;
	[tilespmem:s17+$0xFFFFFF60] =	vst v10  }
0x153: {  	v37 =	vor.u32 $0x100, v4;
	v12 =	vld.idx.msk [tilespmem:v12+s22+$0x0], $0xffff;
	[tilespmem:s17+$0xFFFFFF80] =	vst v18  }
0x154: {  	v39 =	vld.idx.msk [tilespmem:v15+s22+$0x0], $0xffff;
	[tilespmem:s17+$0xFFFFFF10] =	vst v19  }
0x155: {  	v40 =	vor.u32 $0x100, v5;
	v9 =	vld.idx.msk [tilespmem:v9+s22+$0x0], $0xffff;
	[tilespmem:s17+$0xFFFFFF30] =	vst v16  }
0x156: {  	v46 =	vor.u32 $0x100, v2;
	v38 =	vld.idx.msk [tilespmem:v14+s22+$0x0], $0xffff;
	[tilespmem:s17+$0xFFFFFF70] =	vst v34  }
0x157: {  	v51 =	vor.u32 $0x100, v0;
	v41 =	vld.idx.msk [tilespmem:v36+s22+$0x0], $0xffff;
	[tilespmem:s17+$0xFFFFFFC0] =	vst v35  }
0x158: {  	v49 =	vor.u32 $0x100, v1;
	v43 =	vld.idx.msk [tilespmem:v37+s22+$0x0], $0xffff;
	[tilespmem:s17+$0xFFFFFFD0] =	vst v12  }
0x159: {  	v42 =	vor.u32 $0x100, v7;
	v8 =	vld.idx.msk [tilespmem:v8+s22+$0x0], $0xffff;
	[tilespmem:s17+$0xFFFFFFA0] =	vst v39  }
0x15a: {  	v44 =	vor.u32 $0x100, v6;
	v47 =	vld.idx.msk [tilespmem:v40+s22+$0x0], $0xffff;
	[tilespmem:s17+$0xFFFFFFE0] =	vst v9  }
0x15b: {  	v45 =	vor.u32 $0x180, v4;
	v54 =	vld.idx.msk [tilespmem:v46+s22+$0x0], $0xffff;
	[tilespmem:s17+$0xFFFFFF90] =	vst v38  }
0x15c: {  	v48 =	vor.u32 $0x100, v3;
	v60 =	vld.idx.msk [tilespmem:v51+s22+$0x0], $0xffff;
	[tilespmem:s17+$0xFFFFFFB0] =	vst v41  }
0x15d: {  	v55 =	vor.u32 $0x180, v5;
	v57 =	vld.idx.msk [tilespmem:v49+s22+$0x0], $0xffff;
	[tilespmem:s17+$0x0] =	vst v43  }
0x15e: {  	v59 =	vor.u32 $0x180, v2;
	v50 =	vld.idx.msk [tilespmem:v42+s22+$0x0], $0xffff;
	[tilespmem:s17+$0xFFFFFFF0] =	vst v8  }
0x15f: {  	v61 =	vor.u32 $0x180, v0;
	v12 =	vld.idx.msk [tilespmem:v44+s22+$0x0], $0xffff;
	[tilespmem:s17+$0x50] =	vst v47  }
0x160: {  	v63 =	vor.u32 $0x180, v1;
	v4 =	vld.idx.msk [tilespmem:v45+s22+$0x0], $0xffff;
	[tilespmem:s17+$0x20] =	vst v54  }
0x161: {  	v52 =	vor.u32 $0x180, v7;
	v56 =	vld.idx.msk [tilespmem:v48+s22+$0x0], $0xffff;
	[tilespmem:s17+$0x40] =	vst v60  }
0x162: {  	v53 =	vor.u32 $0x180, v6;
	v5 =	vld.idx.msk [tilespmem:v55+s22+$0x0], $0xffff;
	[tilespmem:s17+$0x60] =	vst v57  }
0x163: {  	v58 =	vor.u32 $0x180, v3;
	v2 =	vld.idx.msk [tilespmem:v59+s22+$0x0], $0xffff;
	[tilespmem:s17+$0x10] =	vst v50  }
0x164: {  	v0 =	vld.idx.msk [tilespmem:v61+s22+$0x0], $0xffff;
	[tilespmem:s17+$0x30] =	vst v12  }
0x165: {  	v1 =	vld.idx.msk [tilespmem:v63+s22+$0x0], $0xffff;
	[tilespmem:s17+$0x80] =	vst v4  }
0x166: {  	v7 =	vld.idx.msk [tilespmem:v52+s22+$0x0], $0xffff;
	[tilespmem:s17+$0x70] =	vst v56  }
0x167: {  	v62 =	vld.idx.msk [tilespmem:v53+s22+$0x0], $0xffff;
	[tilespmem:s17+$0xD0] =	vst v5  }
0x168: {  	v3 =	vld.idx.msk [tilespmem:v58+s22+$0x0], $0xffff;
	[tilespmem:s17+$0xA0] =	vst v2  }
0x169: {  	[tilespmem:s17+$0xC0] =	vst v0  }
.Ltmp11:
0x16a: {  	[tilespmem:s17+$0xE0] =	vst v1;
	(pc) =	sbr.rel @p1 .LBB2_18-.Ltmp11, $4  }
0x16b: {  	[tilespmem:s17+$0x90] =	vst v7  }
0x16c: {  	s6 =	sadd.s32 s16, s15;
	[tilespmem:s17+$0xB0] =	vst v62  }
0x16d: {  	s7 =	sadd.s32 s3, s6;
	[tilespmem:s17+$0xF0] =	vst v3  }
0x16e: {  	[hbm4b:s7+s18] =	stream.strided.scatter [tilespmem:s0], [sflag:$0x7], $0x2000, s19, s18, $0x38;
	[tilespmem:$0x10800] =	vst v63  }
.Ltmp12:
0x16f: {  	(pc) =	sbr.rel .LBB2_19-.Ltmp12, $4  }
0x170: {  	_ = 	snop  }
0x171: {  	_ =	swait.ge [sflag:s2], $0x2000  }
0x172: {  	[sflag:s2] =	ssyncset.done $0x0  }
0x173: {  	[sflag:s2] =	ssyncadd.s32 $0xFFFFE000  }
.LBB2_18:
.Ltmp13:
0x174: {  	s7 =	sadd.s32 s15, s13;
	(pc) =	sbr.rel @p0 .LBB2_20-.Ltmp13, $4  }
0x175: {  	[tilespmem:s22], [sflag:$0x3] =	stream.strided.gather [hbm4b:s7+s18], $0x2000, s19, s18, $0x38;
	[tilespmem:$0x10800] =	vst v63  }
0x176: {  	_ =	swait.ge [sflag:s2], $0x2000  }
0x177: {  	[sflag:s2] =	ssyncset.done $0x0  }
0x178: {  	[sflag:s2] =	ssyncadd.s32 $0xFFFFE000  }
.LBB2_19:
0x179: {  	_ =	swait.ge [sflag:s1], $0x2000  }
0x17a: {  	[sflag:s1] =	ssyncset.done $0x0  }
0x17b: {  	[sflag:s1] =	ssyncadd.s32 $0xFFFFE000  }
.LBB2_20:
0x17c: {  	s7 =	simm.s32 $0x40  }
0x17d: {  	v0 =	vld [tilespmem:s7+$0xFFFFFFC0]  }
0x17e: {  	v1 =	vld [tilespmem:s7+$0x10]  }
0x17f: {  	v3 =	vld [tilespmem:s7+$0xFFFFFFE0]  }
0x180: {  	v2 =	vld [tilespmem:s7+$0x0];
	_ =	sdelay $0x1  }
0x181: {  	v6 =	vld [tilespmem:s7+$0x20]  }
0x182: {  	v7 =	vld [tilespmem:s7+$0xFFFFFFF0];
	v4 =	vshll.u32 v0, $0x2;
	v0 =	vand.u32 $0x7F, v0;
	v5 =	vshll.u32 v1, $0x2  }
0x183: {  	v1 =	vand.u32 $0x7F, v1;
	v9 =	vshll.u32 v3, $0x2;
	v4 =	vand.u32 $0xFFFFFE00, v4  }
0x184: {  	v8 =	vld [tilespmem:s7+$0xFFFFFFD0];
	v3 =	vand.u32 $0x7F, v3;
	v4 =	vor.u32 v0, v4;
	v0 =	vshll.u32 v2, $0x2  }
0x185: {  	v5 =	vand.u32 $0xFFFFFE00, v5;
	v2 =	vand.u32 $0x7F, v2;
	v0 =	vand.u32 $0xFFFFFE00, v0  }
0x186: {  	v5 =	vor.u32 v1, v5;
	v0 =	vor.u32 v2, v0;
	v2 =	vand.u32 $0xFFFFFE00, v9;
	v9 =	vld [tilespmem:s7+$0x30]  }
0x187: {  	v11 =	vand.u32 $0x7F, v7;
	v2 =	vor.u32 v3, v2;
	v3 =	vshll.u32 v6, $0x2  }
0x188: {  	v1 =	vand.u32 $0x7F, v6;
	v12 =	vor.u32 $0x80, v4;
	v3 =	vand.u32 $0xFFFFFE00, v3  }
0x189: {  	v6 =	vshll.u32 v7, $0x2;
	v10 =	vld.idx.msk [tilespmem:v4+s23+$0x0], $0xffff;
	v1 =	vor.u32 v1, v3;
	v3 =	vshll.u32 v8, $0x2  }
0x18a: {  	v6 =	vand.u32 $0xFFFFFE00, v6;
	v8 =	vand.u32 $0x7F, v8;
	v3 =	vand.u32 $0xFFFFFE00, v3  }
0x18b: {  	v6 =	vor.u32 v11, v6;
	v17 =	vld.idx.msk [tilespmem:v5+s23+$0x0], $0xffff;
	v7 =	vor.u32 v8, v3;
	v3 =	vshll.u32 v9, $0x2  }
0x18c: {  	v13 =	vld.idx.msk [tilespmem:v0+s23+$0x0], $0xffff;
	v8 =	vand.u32 $0x7F, v9;
	v3 =	vand.u32 $0xFFFFFE00, v3  }
0x18d: {  	s17 =	simm.s32 $0xE900;
	v11 =	vld.idx.msk [tilespmem:v2+s23+$0x0], $0xffff;
	v3 =	vor.u32 v8, v3  }
0x18e: {  	v20 =	vor.u32 $0x80, v0;
	[tilespmem:s17+$0xFFFFFF00] =	vst v10;
	v10 =	vld.idx.msk [tilespmem:v1+s23+$0x0], $0xffff  }
0x18f: {  	v18 =	vld.idx.msk [tilespmem:v12+s23+$0x0], $0xffff;
	v12 =	vor.u32 $0x80, v5  }
0x190: {  	v15 =	vor.u32 $0x80, v2;
	v16 =	vld.idx.msk [tilespmem:v6+s23+$0x0], $0xffff  }
0x191: {  	s8 =	simm.s32 $0xC0;
	s10 =	simm.s32 $0xE900;
	s7 =	simm.s32 $0x0;
	v9 =	vor.u32 $0x80, v1;
	v14 =	vor.u32 $0x80, v7;
	v8 =	vor.u32 $0x80, v3;
	v19 =	vld.idx.msk [tilespmem:v7+s23+$0x0], $0xffff  }
.LBB2_21:
0x192: {  	s7 =	sadd.s32 $0x8, s7;
	[tilespmem:s17+$0xFFFFFF40] =	vst v13;
	v13 =	vld.idx.msk [tilespmem:v3+s23+$0x0], $0xffff;
	s10 =	sadd.s32 $0x200, s10  }
0x193: {  	p0 =	slt.u32 s7, $0x78;
	v20 =	vld.idx.msk [tilespmem:v20+s23+$0x0], $0xffff;
	[tilespmem:s17+$0xFFFFFF50] =	vst v17  }
0x194: {  	v17 =	vor.u32 $0x100, v4;
	v12 =	vld.idx.msk [tilespmem:v12+s23+$0x0], $0xffff  }
0x195: {  	v21 =	vld [tilespmem:s8+$0x10];
	[tilespmem:s17+$0xFFFFFF80] =	vst v18  }
0x196: {  	v18 =	vld [tilespmem:s8+$0xFFFFFFE0];
	[tilespmem:s17+$0xFFFFFF10] =	vst v19;
	v19 =	vor.u32 $0x80, v6  }
0x197: {  	v14 =	vld.idx.msk [tilespmem:v14+s23+$0x0], $0xffff;
	[tilespmem:s17+$0xFFFFFF20] =	vst v11  }
0x198: {  	v11 =	vld.idx.msk [tilespmem:v15+s23+$0x0], $0xffff;
	[tilespmem:s17+$0xFFFFFF70] =	vst v13  }
0x199: {  	v13 =	vld.idx.msk [tilespmem:v17+s23+$0x0], $0xffff;
	[tilespmem:s17+$0xFFFFFFC0] =	vst v20  }
0x19a: {  	v15 =	vld [tilespmem:s8+$0xFFFFFFF0];
	[tilespmem:s17+$0xFFFFFF30] =	vst v16  }
0x19b: {  	v16 =	vld.idx.msk [tilespmem:v19+s23+$0x0], $0xffff;
	[tilespmem:s17+$0xFFFFFFD0] =	vst v12  }
0x19c: {  	v12 =	vld [tilespmem:s8+$0xFFFFFFC0];
	[tilespmem:s17+$0xFFFFFF60] =	vst v10  }
0x19d: {  	[tilespmem:s17+$0xFFFFFF90] =	vst v14;
	v8 =	vld.idx.msk [tilespmem:v8+s23+$0x0], $0xffff  }
0x19e: {  	v10 =	vld [tilespmem:s8+$0x20];
	[tilespmem:s17+$0xFFFFFFA0] =	vst v11;
	v11 =	vor.u32 $0x100, v5  }
0x19f: {  	v14 =	vld [tilespmem:s8+$0x30];
	[tilespmem:s17+$0x0] =	vst v13;
	v13 =	vor.u32 $0x100, v7  }
0x1a0: {  	v19 =	vor.u32 $0x100, v6;
	v17 =	vld [tilespmem:s8+$0xFFFFFFD0]  }
0x1a1: {  	v20 =	vor.u32 $0x180, v4;
	[tilespmem:s17+$0xFFFFFFB0] =	vst v16;
	v9 =	vld.idx.msk [tilespmem:v9+s23+$0x0], $0xffff  }
0x1a2: {  	v22 =	vor.u32 $0x100, v2;
	v23 =	vor.u32 $0x180, v5;
	v5 =	vor.u32 $0x100, v1;
	v16 =	vld [tilespmem:s8+$0x0]  }
0x1a3: {  	v24 =	vor.u32 $0x100, v0;
	v4 =	vshll.u32 v12, $0x2;
	v11 =	vld.idx.msk [tilespmem:v11+s23+$0x0], $0xffff;
	[tilespmem:s17+$0xFFFFFFF0] =	vst v8;
	v8 =	vor.u32 $0x100, v3  }
0x1a4: {  	v4 =	vand.u32 $0xFFFFFE00, v4;
	v25 =	vand.u32 $0x7F, v14;
	v14 =	vshll.u32 v14, $0x2;
	v13 =	vld.idx.msk [tilespmem:v13+s23+$0x0], $0xffff  }
0x1a5: {  	v6 =	vor.u32 $0x180, v6;
	v12 =	vand.u32 $0x7F, v12;
	v14 =	vand.u32 $0xFFFFFE00, v14;
	v19 =	vld.idx.msk [tilespmem:v19+s23+$0x0], $0xffff  }
0x1a6: {  	v7 =	vor.u32 $0x180, v7;
	v4 =	vor.u32 v12, v4;
	v12 =	vshll.u32 v21, $0x2;
	v20 =	vld.idx.msk [tilespmem:v20+s23+$0x0], $0xffff  }
0x1a7: {  	v26 =	vshll.u32 v15, $0x2;
	v14 =	vor.u32 v25, v14;
	v27 =	vshll.u32 v16, $0x2;
	v22 =	vld.idx.msk [tilespmem:v22+s23+$0x0], $0xffff;
	[tilespmem:s17+$0xFFFFFFE0] =	vst v9  }
0x1a8: {  	v21 =	vand.u32 $0x7F, v21;
	v9 =	vand.u32 $0xFFFFFE00, v26;
	v16 =	vand.u32 $0x7F, v16;
	v25 =	vld.idx.msk [tilespmem:v5+s23+$0x0], $0xffff  }
0x1a9: {  	v12 =	vand.u32 $0xFFFFFE00, v12;
	v26 =	vor.u32 $0x180, v2;
	v5 =	vand.u32 $0xFFFFFE00, v27;
	[tilespmem:s17+$0x50] =	vst v11;
	v8 =	vld.idx.msk [tilespmem:v8+s23+$0x0], $0xffff  }
0x1aa: {  	v2 =	vshll.u32 v18, $0x2;
	v11 =	vor.u32 v16, v5;
	v5 =	vor.u32 v21, v12;
	[tilespmem:s17+$0x10] =	vst v13;
	v12 =	vld.idx.msk [tilespmem:v24+s23+$0x0], $0xffff  }
0x1ab: {  	v2 =	vand.u32 $0xFFFFFE00, v2;
	v13 =	vor.u32 $0x180, v3;
	v3 =	vmov v14;
	v7 =	vld.idx.msk [tilespmem:v7+s23+$0x0], $0xffff;
	[tilespmem:s17+$0x30] =	vst v19  }
0x1ac: {  	v14 =	vand.u32 $0x7F, v18;
	v18 =	vor.u32 $0x180, v0;
	v0 =	vmovc v11;
	v19 =	vor.u32 $0x180, v1;
	[tilespmem:s17+$0x80] =	vst v20;
	v16 =	vld.idx.msk [tilespmem:v6+s23+$0x0], $0xffff  }
0x1ad: {  	v21 =	vor.u32 $0x80, v4;
	v2 =	vor.u32 v14, v2;
	v1 =	vand.u32 $0x7F, v15;
	[tilespmem:s17+$0x20] =	vst v22;
	v11 =	vld.idx.msk [tilespmem:v23+s23+$0x0], $0xffff  }
0x1ae: {  	v6 =	vor.u32 v1, v9;
	v1 =	vshll.u32 v10, $0x2;
	v9 =	vld.idx.msk [tilespmem:v26+s23+$0x0], $0xffff;
	[tilespmem:s17+$0x60] =	vst v25  }
0x1af: {  	v10 =	vand.u32 $0x7F, v10;
	v1 =	vand.u32 $0xFFFFFE00, v1;
	v15 =	vld.idx.msk [tilespmem:v4+s23+$0x0], $0xffff;
	[tilespmem:s17+$0x70] =	vst v8  }
0x1b0: {  	v1 =	vor.u32 v10, v1;
	[tilespmem:s17+$0x40] =	vst v12;
	v22 =	vld.idx.msk [tilespmem:v13+s23+$0x0], $0xffff  }
0x1b1: {  	v8 =	vshll.u32 v17, $0x2;
	v12 =	vor.u32 $0x80, v5;
	v13 =	vld.idx.msk [tilespmem:v0+s23+$0x0], $0xffff;
	[tilespmem:s17+$0x90] =	vst v7  }
0x1b2: {  	v10 =	vand.u32 $0xFFFFFE00, v8;
	v8 =	vor.u32 $0x80, v3;
	v7 =	vand.u32 $0x7F, v17;
	[tilespmem:s17+$0xB0] =	vst v16;
	v16 =	vld.idx.msk [tilespmem:v18+s23+$0x0], $0xffff  }
0x1b3: {  	v7 =	vor.u32 v7, v10;
	[tilespmem:s17+$0xD0] =	vst v11;
	v23 =	vld.idx.msk [tilespmem:v19+s23+$0x0], $0xffff  }
0x1b4: {  	v14 =	vor.u32 $0x80, v7;
	v11 =	vld.idx.msk [tilespmem:v2+s23+$0x0], $0xffff  }
.Ltmp14:
0x1b5: {  	[tilespmem:s10+$0xFFFFFF00] =	vst v15;
	v15 =	vor.u32 $0x80, v2;
	v17 =	vld.idx.msk [tilespmem:v5+s23+$0x0], $0xffff;
	(pc) =	sbr.rel @p0 .LBB2_21-.Ltmp14, $4  }
0x1b6: {  	v20 =	vor.u32 $0x80, v0;
	v10 =	vld.idx.msk [tilespmem:v1+s23+$0x0], $0xffff;
	[tilespmem:s17+$0xF0] =	vst v22  }
0x1b7: {  	v18 =	vld.idx.msk [tilespmem:v21+s23+$0x0], $0xffff;
	[tilespmem:s17+$0xA0] =	vst v9  }
0x1b8: {  	v19 =	vld.idx.msk [tilespmem:v7+s23+$0x0], $0xffff;
	[tilespmem:s17+$0xC0] =	vst v16  }
0x1b9: {  	s8 =	sadd.s32 $0x80, s8;
	v9 =	vor.u32 $0x80, v1;
	v16 =	vld.idx.msk [tilespmem:v6+s23+$0x0], $0xffff;
	[tilespmem:s17+$0xE0] =	vst v23;
	s17 =	smov.u32 s10  }
0x1ba: {  	_ =	sdelay $0x1  }
0x1bb: {  	[tilespmem:s17+$0xFFFFFF40] =	vst v13  }
0x1bc: {  	[tilespmem:s17+$0xFFFFFF50] =	vst v17  }
0x1bd: {  	v34 =	vld.idx.msk [tilespmem:v3+s23+$0x0], $0xffff;
	[tilespmem:s17+$0xFFFFFF20] =	vst v11  }
0x1be: {  	v36 =	vor.u32 $0x80, v6;
	v35 =	vld.idx.msk [tilespmem:v20+s23+$0x0], $0xffff;
	[tilespmem:s17+$0xFFFFFF60] =	vst v10  }
0x1bf: {  	v37 =	vor.u32 $0x100, v4;
	v12 =	vld.idx.msk [tilespmem:v12+s23+$0x0], $0xffff;
	[tilespmem:s17+$0xFFFFFF80] =	vst v18  }
0x1c0: {  	v39 =	vld.idx.msk [tilespmem:v15+s23+$0x0], $0xffff;
	[tilespmem:s17+$0xFFFFFF10] =	vst v19  }
0x1c1: {  	v40 =	vor.u32 $0x100, v5;
	v9 =	vld.idx.msk [tilespmem:v9+s23+$0x0], $0xffff;
	[tilespmem:s17+$0xFFFFFF30] =	vst v16  }
0x1c2: {  	v46 =	vor.u32 $0x100, v2;
	v38 =	vld.idx.msk [tilespmem:v14+s23+$0x0], $0xffff;
	[tilespmem:s17+$0xFFFFFF70] =	vst v34  }
0x1c3: {  	v51 =	vor.u32 $0x100, v0;
	v41 =	vld.idx.msk [tilespmem:v36+s23+$0x0], $0xffff;
	[tilespmem:s17+$0xFFFFFFC0] =	vst v35  }
0x1c4: {  	v49 =	vor.u32 $0x100, v1;
	v43 =	vld.idx.msk [tilespmem:v37+s23+$0x0], $0xffff;
	[tilespmem:s17+$0xFFFFFFD0] =	vst v12  }
0x1c5: {  	v42 =	vor.u32 $0x100, v7;
	v8 =	vld.idx.msk [tilespmem:v8+s23+$0x0], $0xffff;
	[tilespmem:s17+$0xFFFFFFA0] =	vst v39  }
0x1c6: {  	v44 =	vor.u32 $0x100, v6;
	v47 =	vld.idx.msk [tilespmem:v40+s23+$0x0], $0xffff;
	[tilespmem:s17+$0xFFFFFFE0] =	vst v9  }
0x1c7: {  	v45 =	vor.u32 $0x180, v4;
	v54 =	vld.idx.msk [tilespmem:v46+s23+$0x0], $0xffff;
	[tilespmem:s17+$0xFFFFFF90] =	vst v38  }
0x1c8: {  	v48 =	vor.u32 $0x100, v3;
	v60 =	vld.idx.msk [tilespmem:v51+s23+$0x0], $0xffff;
	[tilespmem:s17+$0xFFFFFFB0] =	vst v41  }
0x1c9: {  	v55 =	vor.u32 $0x180, v5;
	v57 =	vld.idx.msk [tilespmem:v49+s23+$0x0], $0xffff;
	[tilespmem:s17+$0x0] =	vst v43  }
0x1ca: {  	v59 =	vor.u32 $0x180, v2;
	v50 =	vld.idx.msk [tilespmem:v42+s23+$0x0], $0xffff;
	[tilespmem:s17+$0xFFFFFFF0] =	vst v8  }
0x1cb: {  	v61 =	vor.u32 $0x180, v0;
	v12 =	vld.idx.msk [tilespmem:v44+s23+$0x0], $0xffff;
	[tilespmem:s17+$0x50] =	vst v47  }
0x1cc: {  	v63 =	vor.u32 $0x180, v1;
	v4 =	vld.idx.msk [tilespmem:v45+s23+$0x0], $0xffff;
	[tilespmem:s17+$0x20] =	vst v54  }
0x1cd: {  	v52 =	vor.u32 $0x180, v7;
	v56 =	vld.idx.msk [tilespmem:v48+s23+$0x0], $0xffff;
	[tilespmem:s17+$0x40] =	vst v60  }
0x1ce: {  	v53 =	vor.u32 $0x180, v6;
	v5 =	vld.idx.msk [tilespmem:v55+s23+$0x0], $0xffff;
	[tilespmem:s17+$0x60] =	vst v57  }
0x1cf: {  	v58 =	vor.u32 $0x180, v3;
	v2 =	vld.idx.msk [tilespmem:v59+s23+$0x0], $0xffff;
	[tilespmem:s17+$0x10] =	vst v50  }
0x1d0: {  	v0 =	vld.idx.msk [tilespmem:v61+s23+$0x0], $0xffff;
	[tilespmem:s17+$0x30] =	vst v12  }
0x1d1: {  	v1 =	vld.idx.msk [tilespmem:v63+s23+$0x0], $0xffff;
	[tilespmem:s17+$0x80] =	vst v4  }
0x1d2: {  	v7 =	vld.idx.msk [tilespmem:v52+s23+$0x0], $0xffff;
	[tilespmem:s17+$0x70] =	vst v56  }
0x1d3: {  	v62 =	vld.idx.msk [tilespmem:v53+s23+$0x0], $0xffff;
	[tilespmem:s17+$0xD0] =	vst v5  }
0x1d4: {  	v3 =	vld.idx.msk [tilespmem:v58+s23+$0x0], $0xffff;
	[tilespmem:s17+$0xA0] =	vst v2  }
0x1d5: {  	p0 =	seq.s32 s9, $0x1F;
	[tilespmem:s17+$0xC0] =	vst v0  }
.Ltmp15:
0x1d6: {  	[tilespmem:s17+$0xE0] =	vst v1;
	(pc) =	sbr.rel @p0 .LBB2_24-.Ltmp15, $4  }
0x1d7: {  	[tilespmem:s17+$0x90] =	vst v7  }
0x1d8: {  	[tilespmem:s17+$0xB0] =	vst v62  }
0x1d9: {  	s6 =	sadd.s32 s6, s11;
	[tilespmem:s17+$0xF0] =	vst v3  }
0x1da: {  	[hbm4b:s6+s18] =	stream.strided.scatter [tilespmem:s4], [sflag:$0x8], $0x2000, s19, s18, $0x38;
	[tilespmem:$0x10800] =	vst v63  }
.Ltmp16:
0x1db: {  	(pc) =	sbr.rel .LBB2_2-.Ltmp16, $3  }
0x1dc: {  	_ =	sdelay $0x1  }
0x1dd: {  	s6 =	sadd.s32 s15, s14;
	s9 =	sadd.s32 $0x1, s9  }
0x1de: {  	[tilespmem:s23], [sflag:$0x4] =	stream.strided.gather [hbm4b:s6+s18], $0x2000, s19, s18, $0x38;
	[tilespmem:$0x10800] =	vst v63  }
.LBB2_25:
0x1df: {  	_ =	sfence.sel $0x180000  }
0x1e0: {  	[bflag:$0x0] =	sbarrier.arrive $0xFFFF  }
0x1e1: {  	_ =	strace $0x90000047  }
0x1e2: {  	s0 =	stileid.u32;
	[bflag:$0x2] =	sbarrier.arrive $0xFFFF  }
0x1e3: {  	p0 =	sne.s32 s0, $0x0;
	s0 =	rddreg [dreg:$0x3]  }
0x1e4: {  	s0 =	sadd.s32 @!p0 $0x100000, s0  }
0x1e5: {  	[sflag:s0] =	ssyncadd.tile.s32 @!p0 $0x1;
	_ =	shalt  }
.Lfunc_end2:
_tile_overlayer_lowered:
.L_overlay_start_2:
0x1e6: {  	(tag) =	ssettag $0x2  }
0x1e7: {  	s0 =	rddreg [dreg:$0x0];
	s2 =	stileid.u32  }
0x1e8: {  	s1 =	rddreg [dreg:$0x1];
	p0 =	sne.s32 s2, $0x0  }
0x1e9: {  	s3 =	rddreg [dreg:$0x2];
	[bflag:$0x3] =	sbarrier.arrive $0xFFFF;
	s2 =	simm.s32 @!p0 $0x1C09  }
0x1ea: {  	[timem:s3], [sflag:s2] =	dma.local @!p0 [hbm:s0], s1  }
0x1eb: {  	s0 =	simm.s32 @!p0 $0x9  }
0x1ec: {  	_ =	swait.ge @!p0 [sflag:s0], s1  }
0x1ed: {  	s1 =	ssub.s32 @!p0 $0x0, s1;
	[sflag:s0] =	ssyncset.done @!p0 $0x0  }
0x1ee: {  	[sflag:s0] =	ssyncadd.s32 @!p0 s1  }
0x1ef: {  	[bflag:$0x3] =	sbarrier.arrive $0xFFFF  }
0x1f0: {  	_ =	shalt  }

</sc_bundles>
